<compile_context>
chip_gen: v7x
topology: tpu7x:2x2x1
jax: 0.10.2.dev20260603
libtpu: 0.0.44.dev20260713+nightly
codegen_flags: <defaults>
</compile_context>

<pallas_src>
import functools

import jax
import jax.numpy as jnp
from jax import lax
from jax.experimental import pallas as pl
from jax.experimental.pallas import tpu as pltpu
from jax.experimental.pallas import tpu_sc as plsc

VOCAB = 100000
DIM = 128
RANK = 64
LORA_SCALE = 1.0 / RANK


MERGE_BLK = 10000


def _merge_body(w_ref, a_ref, b_ref, out_ref):
    lora = lax.dot_general(
        a_ref[...], b_ref[...],
        (((1,), (1,)), ((), ())),
        preferred_element_type=jnp.float32,
    )
    out_ref[...] = w_ref[...] + lora * LORA_SCALE


def _merge(W_src, A, B):
    return pl.pallas_call(
        _merge_body,
        grid=(VOCAB // MERGE_BLK,),
        in_specs=[
            pl.BlockSpec((MERGE_BLK, DIM), lambda i: (i, 0)),
            pl.BlockSpec((MERGE_BLK, RANK), lambda i: (i, 0)),
            pl.BlockSpec((DIM, RANK), lambda i: (0, 0)),
        ],
        out_specs=pl.BlockSpec((MERGE_BLK, DIM), lambda i: (i, 0)),
        out_shape=jax.ShapeDtypeStruct((VOCAB, DIM), jnp.float32),
    )(W_src, A.astype(jnp.bfloat16), B.astype(jnp.bfloat16))



NTOK = 4096 * 200
NC, NS = 2, 16
NW = NC * NS
CHUNK = 128
NCHUNK = NTOK // (NW * CHUNK)
GCH = 2
NSLAB = 3
NGRP = NCHUNK // GCH
NREM = NCHUNK - NGRP * GCH


def _gather_sc_body(idx_hbm, tab_hbm, out_hbm, idx_v, rows, g0, g1, g2, s0, s1, s2):
    gs, ss = (g0, g1, g2), (s0, s1, s2)
    wid = lax.axis_index("s") * NC + lax.axis_index("c")
    base = wid * NCHUNK
    pltpu.sync_copy(idx_hbm.at[pl.ds(base, NCHUNK)], idx_v)

    def gather(slab, c, j):
        return pltpu.make_async_copy(
            tab_hbm.at[idx_v.at[c]],
            rows.at[slab].at[pl.ds(j * CHUNK, CHUNK)], gs[slab])

    def store(slab, g):
        return pltpu.make_async_copy(
            rows.at[slab],
            out_hbm.at[pl.ds((base + g * GCH) * CHUNK, GCH * CHUNK)],
            ss[slab])

    def fill(slab, g):
        for j in range(GCH):
            gather(slab, g * GCH + j, j).start()

    fill(0, 0)
    fill(1, 1)

    def trio(p, carry):
        for s in (0, 1, 2):
            g = p * 3 + s
            for j in range(GCH):
                gather(s, g * GCH + j, j).wait()
            store(s, g).start()
            o = (s + 2) % 3

            @pl.when(g >= 1)
            def _():
                store(o, g - 1).wait()

            @pl.when(g <= NGRP - 3)
            def _():
                fill(o, g + 2)

        return carry

    lax.fori_loop(0, NGRP // 3, trio, 0)

    g_last = NGRP - 1
    for j in range(GCH):
        gather(0, g_last * GCH + j, j).wait()
    store(0, g_last).start()
    store(2, g_last - 1).wait()
    store(0, g_last).wait()


@functools.partial(
    pl.kernel,
    out_type=jax.ShapeDtypeStruct((NTOK, DIM), jnp.float32),
    mesh=plsc.VectorSubcoreMesh(
        core_axis_name="c", subcore_axis_name="s",
        num_cores=NC, num_subcores=NS),
    scratch_types=[
        pltpu.VMEM((NCHUNK, CHUNK), jnp.int32),
        pltpu.VMEM((NSLAB, GCH * CHUNK, DIM), jnp.float32),
    ] + [pltpu.SemaphoreType.DMA] * 6,
)
def _gather_sc(idx_hbm, tab_hbm, out_hbm, idx_v, rows, g0, g1, g2, s0, s1, s2):
    _gather_sc_body(idx_hbm, tab_hbm, out_hbm, idx_v, rows, g0, g1, g2, s0, s1, s2)




def kernel(x, W_src, A, B):
    merged = _merge(W_src, A, B)
    idx = x.reshape(NW * NCHUNK, CHUNK).astype(jnp.int32)
    out = _gather_sc(idx, merged)
    return out.reshape(x.shape[0], x.shape[1], DIM)

# --- scband reference (transcript-rebuilt; emitter-appended) ---
"""Pipeline reference for scband-lo-raembedding-52836687675967 (READ-ONLY COPY).

The authoritative reference and input builder live on the scoring server;
editing this copy changes nothing except your own understanding.
"""

import jax, jax.numpy as jnp
import numpy as np

VOCAB = 100000
DIM = 128
RANK = 64
ALPHA = 1.0
SCALE = ALPHA / RANK


def setup_inputs(seed: int = 0) -> dict:
    key = jax.random.key(seed)
    k1, k2, k3, k4 = jax.random.split(key, 4)
    x = jax.random.randint(k1, (4096, 200), 0, VOCAB, dtype=jnp.int64 if jax.config.jax_enable_x64 else jnp.int32)
    W_src = jax.random.normal(k2, (VOCAB, DIM), dtype=jnp.float32) * 0.02
    A = jax.random.normal(k3, (VOCAB, RANK), dtype=jnp.float32) * 0.02
    # torch inits B to zeros; use small random values so the LoRA path is numerically exercised
    B = jax.random.normal(k4, (DIM, RANK), dtype=jnp.float32) * 0.02  # nn.Linear weight layout [out, in]
    return {"x": x, "W_src": W_src, "A": A, "B": B}


def reference(x, W_src, A, B):
    # LoRAEmbedding.forward (unmerged path):
    #   base = src(x); out = base + B(A(x)) * scale
    base = jnp.take(W_src, x, axis=0)               # [B, L, DIM]
    a = jnp.take(A, x, axis=0)                      # [B, L, RANK]
    lora = a @ B.T                                  # [B, L, DIM]
    return base + lora * SCALE

if __name__ == "__main__":
    import jax
    _d = setup_inputs()
    print(jax.jit(kernel)(*tuple(_d.values())))

</pallas_src>

<mosaic_0001>
#map = affine_map<(d0, d1) -> (0, 0)>
module attributes {stable_mosaic.version = 14 : i64} {
  func.func @_gather_sc(%arg0: i32, %arg1: i32, %arg2: memref<6400x128xi32, #tpu.memory_space<hbm>>, %arg3: memref<100000x128xf32, #tpu.memory_space<hbm>>, %arg4: memref<819200x128xf32, #tpu.memory_space<hbm>>, %arg5: memref<200x128xi32, #tpu.memory_space<vmem>>, %arg6: memref<3x256x128xf32, #tpu.memory_space<vmem>>, %arg7: memref<!tpu.dma_semaphore, #tpu.memory_space<semaphore_mem>>, %arg8: memref<!tpu.dma_semaphore, #tpu.memory_space<semaphore_mem>>, %arg9: memref<!tpu.dma_semaphore, #tpu.memory_space<semaphore_mem>>, %arg10: memref<!tpu.dma_semaphore, #tpu.memory_space<semaphore_mem>>, %arg11: memref<!tpu.dma_semaphore, #tpu.memory_space<semaphore_mem>>, %arg12: memref<!tpu.dma_semaphore, #tpu.memory_space<semaphore_mem>>) attributes {dimension_semantics = [#tpu.dimension_semantics<core_parallel>, #tpu.dimension_semantics<subcore_parallel>], iteration_bounds = array<i64: 2, 16>, scalar_prefetch = 0 : i64, scratch_operands = 8 : i64, tpu.core_type = #tpu.core_type<sc_vector_subcore>, window_params = [{transform_indices = #map}, {transform_indices = #map}, {transform_indices = #map}]} {
    %mul3A = arith.constant 2 : i32
    %mul3A_0 = arith.muli %arg1, %mul3A : i32
    %add3A = arith.addi %mul3A_0, %arg0 : i32
    %mul3A_1 = arith.constant 200 : i32
    %mul3A_2 = arith.muli %add3A, %mul3A_1 : i32
    "tpu.region"() ({
      %run_scoped3A = tpu.sem_alloc : memref<!tpu.dma_semaphore, #tpu.memory_space<semaphore_mem>>
      %dma_start3A_147 = arith.constant 0 : i32
      %dma_start3A_148 = tpu.memref_slice %arg2[%mul3A_2, %dma_start3A_147] : memref<6400x128xi32, #tpu.memory_space<hbm>> -> memref<200x128xi32, #tpu.memory_space<hbm>>
      %dma_start3A_149 = arith.constant 0 : i32
      %dma_start3A_150 = tpu.memref_slice %arg2[%mul3A_2, %dma_start3A_149] : memref<6400x128xi32, #tpu.memory_space<hbm>> -> memref<200x128xi32, #tpu.memory_space<hbm>>
      tpu.enqueue_dma source(%dma_start3A_150 : memref<200x128xi32, #tpu.memory_space<hbm>>) target(%arg5 : memref<200x128xi32, #tpu.memory_space<vmem>>) target_semaphore(%run_scoped3A : memref<!tpu.dma_semaphore, #tpu.memory_space<semaphore_mem>>)
      %dma_wait3A_151 = arith.constant 0 : i32
      %dma_wait3A_152 = tpu.memref_slice %arg2[%mul3A_2, %dma_wait3A_151] : memref<6400x128xi32, #tpu.memory_space<hbm>> -> memref<200x128xi32, #tpu.memory_space<hbm>>
      %dma_wait3A_153 = arith.constant 0 : i32
      %dma_wait3A_154 = tpu.memref_slice %arg2[%mul3A_2, %dma_wait3A_153] : memref<6400x128xi32, #tpu.memory_space<hbm>> -> memref<200x128xi32, #tpu.memory_space<hbm>>
      tpu.wait_dma2 semaphore(%run_scoped3A : memref<!tpu.dma_semaphore, #tpu.memory_space<semaphore_mem>>) src(%dma_wait3A_154 : memref<200x128xi32, #tpu.memory_space<hbm>>) dst(%arg5 : memref<200x128xi32, #tpu.memory_space<vmem>>)
      tpu.yield
    }) : () -> ()
    %dma_start3A = arith.constant 0 : i32
    %dma_start3A_3 = arith.constant 0 : i32
    %dma_start3A_4 = arith.constant 0 : i32
    %dma_start3A_5 = arith.constant 0 : i32
    %dma_start3A_6 = tpu.memref_slice %arg6[%dma_start3A_3, %dma_start3A_4, %dma_start3A_5] : memref<3x256x128xf32, #tpu.memory_space<vmem>> -> memref<1x256x128xf32, #tpu.memory_space<vmem>>
    %dma_start3A_7 = tpu.memref_squeeze %dma_start3A_6 : memref<1x256x128xf32, #tpu.memory_space<vmem>> -> memref<256x128xf32, #tpu.memory_space<vmem>>
    %dma_start3A_8 = arith.constant 0 : i32
    %dma_start3A_9 = arith.constant 0 : i32
    %dma_start3A_10 = tpu.memref_slice %dma_start3A_7[%dma_start3A_8, %dma_start3A_9] : memref<256x128xf32, #tpu.memory_space<vmem>> -> memref<128x128xf32, #tpu.memory_space<vmem>>
    %dma_start3A_11 = arith.constant 0 : i32
    %dma_start3A_12 = tpu.memref_slice %arg5[%dma_start3A, %dma_start3A_11] : memref<200x128xi32, #tpu.memory_space<vmem>> -> memref<1x128xi32, #tpu.memory_space<vmem>>
    %dma_start3A_13 = tpu.memref_squeeze %dma_start3A_12 : memref<1x128xi32, #tpu.memory_space<vmem>> -> memref<128xi32, #tpu.memory_space<vmem>>
    %dma_start3A_14 = arith.constant 0 : i32
    %dma_start3A_15 = arith.constant 0 : i32
    %dma_start3A_16 = tpu.memref_slice %arg3[%dma_start3A_14, %dma_start3A_15] : memref<100000x128xf32, #tpu.memory_space<hbm>> -> memref<100000x128xf32, #tpu.memory_space<hbm>>
    tpu.enqueue_indirect_dma source(%dma_start3A_16 : memref<100000x128xf32, #tpu.memory_space<hbm>>) target(%dma_start3A_10 : memref<128x128xf32, #tpu.memory_space<vmem>>) offsets(%dma_start3A_13 : memref<128xi32, #tpu.memory_space<vmem>>) semaphore(%arg7 : memref<!tpu.dma_semaphore, #tpu.memory_space<semaphore_mem>>)
    %dma_start3A_17 = arith.constant 1 : i32
    %dma_start3A_18 = arith.constant 0 : i32
    %dma_start3A_19 = arith.constant 0 : i32
    %dma_start3A_20 = arith.constant 0 : i32
    %dma_start3A_21 = tpu.memref_slice %arg6[%dma_start3A_18, %dma_start3A_19, %dma_start3A_20] : memref<3x256x128xf32, #tpu.memory_space<vmem>> -> memref<1x256x128xf32, #tpu.memory_space<vmem>>
    %dma_start3A_22 = tpu.memref_squeeze %dma_start3A_21 : memref<1x256x128xf32, #tpu.memory_space<vmem>> -> memref<256x128xf32, #tpu.memory_space<vmem>>
    %dma_start3A_23 = arith.constant 128 : i32
    %dma_start3A_24 = arith.constant 0 : i32
    %dma_start3A_25 = tpu.memref_slice %dma_start3A_22[%dma_start3A_23, %dma_start3A_24] : memref<256x128xf32, #tpu.memory_space<vmem>> -> memref<128x128xf32, #tpu.memory_space<vmem>>
    %dma_start3A_26 = arith.constant 0 : i32
    %dma_start3A_27 = tpu.memref_slice %arg5[%dma_start3A_17, %dma_start3A_26] : memref<200x128xi32, #tpu.memory_space<vmem>> -> memref<1x128xi32, #tpu.memory_space<vmem>>
    %dma_start3A_28 = tpu.memref_squeeze %dma_start3A_27 : memref<1x128xi32, #tpu.memory_space<vmem>> -> memref<128xi32, #tpu.memory_space<vmem>>
    %dma_start3A_29 = arith.constant 0 : i32
    %dma_start3A_30 = arith.constant 0 : i32
    %dma_start3A_31 = tpu.memref_slice %arg3[%dma_start3A_29, %dma_start3A_30] : memref<100000x128xf32, #tpu.memory_space<hbm>> -> memref<100000x128xf32, #tpu.memory_space<hbm>>
    tpu.enqueue_indirect_dma source(%dma_start3A_31 : memref<100000x128xf32, #tpu.memory_space<hbm>>) target(%dma_start3A_25 : memref<128x128xf32, #tpu.memory_space<vmem>>) offsets(%dma_start3A_28 : memref<128xi32, #tpu.memory_space<vmem>>) semaphore(%arg7 : memref<!tpu.dma_semaphore, #tpu.memory_space<semaphore_mem>>)
    %dma_start3A_32 = arith.constant 2 : i32
    %dma_start3A_33 = arith.constant 1 : i32
    %dma_start3A_34 = arith.constant 0 : i32
    %dma_start3A_35 = arith.constant 0 : i32
    %dma_start3A_36 = tpu.memref_slice %arg6[%dma_start3A_33, %dma_start3A_34, %dma_start3A_35] : memref<3x256x128xf32, #tpu.memory_space<vmem>> -> memref<1x256x128xf32, #tpu.memory_space<vmem>>
    %dma_start3A_37 = tpu.memref_squeeze %dma_start3A_36 : memref<1x256x128xf32, #tpu.memory_space<vmem>> -> memref<256x128xf32, #tpu.memory_space<vmem>>
    %dma_start3A_38 = arith.constant 0 : i32
    %dma_start3A_39 = arith.constant 0 : i32
    %dma_start3A_40 = tpu.memref_slice %dma_start3A_37[%dma_start3A_38, %dma_start3A_39] : memref<256x128xf32, #tpu.memory_space<vmem>> -> memref<128x128xf32, #tpu.memory_space<vmem>>
    %dma_start3A_41 = arith.constant 0 : i32
    %dma_start3A_42 = tpu.memref_slice %arg5[%dma_start3A_32, %dma_start3A_41] : memref<200x128xi32, #tpu.memory_space<vmem>> -> memref<1x128xi32, #tpu.memory_space<vmem>>
    %dma_start3A_43 = tpu.memref_squeeze %dma_start3A_42 : memref<1x128xi32, #tpu.memory_space<vmem>> -> memref<128xi32, #tpu.memory_space<vmem>>
    %dma_start3A_44 = arith.constant 0 : i32
    %dma_start3A_45 = arith.constant 0 : i32
    %dma_start3A_46 = tpu.memref_slice %arg3[%dma_start3A_44, %dma_start3A_45] : memref<100000x128xf32, #tpu.memory_space<hbm>> -> memref<100000x128xf32, #tpu.memory_space<hbm>>
    tpu.enqueue_indirect_dma source(%dma_start3A_46 : memref<100000x128xf32, #tpu.memory_space<hbm>>) target(%dma_start3A_40 : memref<128x128xf32, #tpu.memory_space<vmem>>) offsets(%dma_start3A_43 : memref<128xi32, #tpu.memory_space<vmem>>) semaphore(%arg8 : memref<!tpu.dma_semaphore, #tpu.memory_space<semaphore_mem>>)
    %dma_start3A_47 = arith.constant 3 : i32
    %dma_start3A_48 = arith.constant 1 : i32
    %dma_start3A_49 = arith.constant 0 : i32
    %dma_start3A_50 = arith.constant 0 : i32
    %dma_start3A_51 = tpu.memref_slice %arg6[%dma_start3A_48, %dma_start3A_49, %dma_start3A_50] : memref<3x256x128xf32, #tpu.memory_space<vmem>> -> memref<1x256x128xf32, #tpu.memory_space<vmem>>
    %dma_start3A_52 = tpu.memref_squeeze %dma_start3A_51 : memref<1x256x128xf32, #tpu.memory_space<vmem>> -> memref<256x128xf32, #tpu.memory_space<vmem>>
    %dma_start3A_53 = arith.constant 128 : i32
    %dma_start3A_54 = arith.constant 0 : i32
    %dma_start3A_55 = tpu.memref_slice %dma_start3A_52[%dma_start3A_53, %dma_start3A_54] : memref<256x128xf32, #tpu.memory_space<vmem>> -> memref<128x128xf32, #tpu.memory_space<vmem>>
    %dma_start3A_56 = arith.constant 0 : i32
    %dma_start3A_57 = tpu.memref_slice %arg5[%dma_start3A_47, %dma_start3A_56] : memref<200x128xi32, #tpu.memory_space<vmem>> -> memref<1x128xi32, #tpu.memory_space<vmem>>
    %dma_start3A_58 = tpu.memref_squeeze %dma_start3A_57 : memref<1x128xi32, #tpu.memory_space<vmem>> -> memref<128xi32, #tpu.memory_space<vmem>>
    %dma_start3A_59 = arith.constant 0 : i32
    %dma_start3A_60 = arith.constant 0 : i32
    %dma_start3A_61 = tpu.memref_slice %arg3[%dma_start3A_59, %dma_start3A_60] : memref<100000x128xf32, #tpu.memory_space<hbm>> -> memref<100000x128xf32, #tpu.memory_space<hbm>>
    tpu.enqueue_indirect_dma source(%dma_start3A_61 : memref<100000x128xf32, #tpu.memory_space<hbm>>) target(%dma_start3A_55 : memref<128x128xf32, #tpu.memory_space<vmem>>) offsets(%dma_start3A_58 : memref<128xi32, #tpu.memory_space<vmem>>) semaphore(%arg8 : memref<!tpu.dma_semaphore, #tpu.memory_space<semaphore_mem>>)
    %scan3A = arith.constant 0 : i32
    %scan3A_62 = arith.constant 0 : i32
    %scan3A_63 = arith.constant 33 : i32
    %scan3A_64 = arith.addi %scan3A_62, %scan3A_63 : i32
    %scan3A_65 = arith.constant 1 : i32
    scf.for %scan3A_147 = %scan3A_62 to %scan3A_64 step %scan3A_65  : i32 {
      %mul3A_148 = arith.constant 3 : i32
      %mul3A_149 = arith.muli %scan3A_147, %mul3A_148 : i32
      %add3A_150 = arith.constant 0 : i32
      %add3A_151 = arith.addi %mul3A_149, %add3A_150 : i32
      %mul3A_152 = arith.constant 2 : i32
      %mul3A_153 = arith.muli %add3A_151, %mul3A_152 : i32
      %add3A_154 = arith.constant 0 : i32
      %add3A_155 = arith.addi %mul3A_153, %add3A_154 : i32
      %dma_wait3A_156 = arith.constant 0 : i32
      %dma_wait3A_157 = arith.constant 0 : i32
      %dma_wait3A_158 = arith.constant 0 : i32
      %dma_wait3A_159 = tpu.memref_slice %arg6[%dma_wait3A_156, %dma_wait3A_157, %dma_wait3A_158] : memref<3x256x128xf32, #tpu.memory_space<vmem>> -> memref<1x256x128xf32, #tpu.memory_space<vmem>>
      %dma_wait3A_160 = tpu.memref_squeeze %dma_wait3A_159 : memref<1x256x128xf32, #tpu.memory_space<vmem>> -> memref<256x128xf32, #tpu.memory_space<vmem>>
      %dma_wait3A_161 = arith.constant 0 : i32
      %dma_wait3A_162 = arith.constant 0 : i32
      %dma_wait3A_163 = tpu.memref_slice %dma_wait3A_160[%dma_wait3A_161, %dma_wait3A_162] : memref<256x128xf32, #tpu.memory_space<vmem>> -> memref<128x128xf32, #tpu.memory_space<vmem>>
      %dma_wait3A_164 = arith.constant 0 : i32
      %dma_wait3A_165 = tpu.memref_slice %arg5[%add3A_155, %dma_wait3A_164] : memref<200x128xi32, #tpu.memory_space<vmem>> -> memref<1x128xi32, #tpu.memory_space<vmem>>
      %dma_wait3A_166 = tpu.memref_squeeze %dma_wait3A_165 : memref<1x128xi32, #tpu.memory_space<vmem>> -> memref<128xi32, #tpu.memory_space<vmem>>
      %dma_wait3A_167 = arith.constant 0 : i32
      %dma_wait3A_168 = arith.constant 0 : i32
      %dma_wait3A_169 = tpu.memref_slice %arg3[%dma_wait3A_167, %dma_wait3A_168] : memref<100000x128xf32, #tpu.memory_space<hbm>> -> memref<100000x128xf32, #tpu.memory_space<hbm>>
      tpu.wait_indirect_dma semaphore(%arg7 : memref<!tpu.dma_semaphore, #tpu.memory_space<semaphore_mem>>) src(%dma_wait3A_169 : memref<100000x128xf32, #tpu.memory_space<hbm>>) dst(%dma_wait3A_163 : memref<128x128xf32, #tpu.memory_space<vmem>>)
      %mul3A_170 = arith.constant 2 : i32
      %mul3A_171 = arith.muli %add3A_151, %mul3A_170 : i32
      %add3A_172 = arith.constant 1 : i32
      %add3A_173 = arith.addi %mul3A_171, %add3A_172 : i32
      %dma_wait3A_174 = arith.constant 0 : i32
      %dma_wait3A_175 = arith.constant 0 : i32
      %dma_wait3A_176 = arith.constant 0 : i32
      %dma_wait3A_177 = tpu.memref_slice %arg6[%dma_wait3A_174, %dma_wait3A_175, %dma_wait3A_176] : memref<3x256x128xf32, #tpu.memory_space<vmem>> -> memref<1x256x128xf32, #tpu.memory_space<vmem>>
      %dma_wait3A_178 = tpu.memref_squeeze %dma_wait3A_177 : memref<1x256x128xf32, #tpu.memory_space<vmem>> -> memref<256x128xf32, #tpu.memory_space<vmem>>
      %dma_wait3A_179 = arith.constant 128 : i32
      %dma_wait3A_180 = arith.constant 0 : i32
      %dma_wait3A_181 = tpu.memref_slice %dma_wait3A_178[%dma_wait3A_179, %dma_wait3A_180] : memref<256x128xf32, #tpu.memory_space<vmem>> -> memref<128x128xf32, #tpu.memory_space<vmem>>
      %dma_wait3A_182 = arith.constant 0 : i32
      %dma_wait3A_183 = tpu.memref_slice %arg5[%add3A_173, %dma_wait3A_182] : memref<200x128xi32, #tpu.memory_space<vmem>> -> memref<1x128xi32, #tpu.memory_space<vmem>>
      %dma_wait3A_184 = tpu.memref_squeeze %dma_wait3A_183 : memref<1x128xi32, #tpu.memory_space<vmem>> -> memref<128xi32, #tpu.memory_space<vmem>>
      %dma_wait3A_185 = arith.constant 0 : i32
      %dma_wait3A_186 = arith.constant 0 : i32
      %dma_wait3A_187 = tpu.memref_slice %arg3[%dma_wait3A_185, %dma_wait3A_186] : memref<100000x128xf32, #tpu.memory_space<hbm>> -> memref<100000x128xf32, #tpu.memory_space<hbm>>
      tpu.wait_indirect_dma semaphore(%arg7 : memref<!tpu.dma_semaphore, #tpu.memory_space<semaphore_mem>>) src(%dma_wait3A_187 : memref<100000x128xf32, #tpu.memory_space<hbm>>) dst(%dma_wait3A_181 : memref<128x128xf32, #tpu.memory_space<vmem>>)
      %mul3A_188 = arith.constant 2 : i32
      %mul3A_189 = arith.muli %add3A_151, %mul3A_188 : i32
      %add3A_190 = arith.addi %mul3A_2, %mul3A_189 : i32
      %mul3A_191 = arith.constant 128 : i32
      %mul3A_192 = arith.muli %add3A_190, %mul3A_191 : i32
      %dma_start3A_193 = arith.constant 0 : i32
      %dma_start3A_194 = arith.constant 0 : i32
      %dma_start3A_195 = arith.constant 0 : i32
      %dma_start3A_196 = tpu.memref_slice %arg6[%dma_start3A_193, %dma_start3A_194, %dma_start3A_195] : memref<3x256x128xf32, #tpu.memory_space<vmem>> -> memref<1x256x128xf32, #tpu.memory_space<vmem>>
      %dma_start3A_197 = tpu.memref_squeeze %dma_start3A_196 : memref<1x256x128xf32, #tpu.memory_space<vmem>> -> memref<256x128xf32, #tpu.memory_space<vmem>>
      %dma_start3A_198 = arith.constant 0 : i32
      %dma_start3A_199 = tpu.memref_slice %arg4[%mul3A_192, %dma_start3A_198] : memref<819200x128xf32, #tpu.memory_space<hbm>> -> memref<256x128xf32, #tpu.memory_space<hbm>>
      %dma_start3A_200 = arith.constant 0 : i32
      %dma_start3A_201 = tpu.memref_slice %arg4[%mul3A_192, %dma_start3A_200] : memref<819200x128xf32, #tpu.memory_space<hbm>> -> memref<256x128xf32, #tpu.memory_space<hbm>>
      %dma_start3A_202 = arith.constant 0 : i32
      %dma_start3A_203 = arith.constant 0 : i32
      %dma_start3A_204 = tpu.memref_slice %arg6[%dma_start3A_193, %dma_start3A_202, %dma_start3A_203] : memref<3x256x128xf32, #tpu.memory_space<vmem>> -> memref<1x256x128xf32, #tpu.memory_space<vmem>>
      %dma_start3A_205 = tpu.memref_squeeze %dma_start3A_204 : memref<1x256x128xf32, #tpu.memory_space<vmem>> -> memref<256x128xf32, #tpu.memory_space<vmem>>
      tpu.enqueue_dma source(%dma_start3A_205 : memref<256x128xf32, #tpu.memory_space<vmem>>) target(%dma_start3A_201 : memref<256x128xf32, #tpu.memory_space<hbm>>) target_semaphore(%arg10 : memref<!tpu.dma_semaphore, #tpu.memory_space<semaphore_mem>>)
      %ge3A = arith.constant 1 : i32
      %ge3A_206 = arith.cmpi sge, %add3A_151, %ge3A : i32
      %convert_element_type3A = arith.extui %ge3A_206 : i1 to i32
      %cond3A = arith.constant 0 : i32
      %cond3A_207 = arith.cmpi ne, %convert_element_type3A, %cond3A : i32
      scf.if %cond3A_207 {
        %sub3A = arith.constant 1 : i32
        %sub3A_348 = arith.subi %add3A_151, %sub3A : i32
        %mul3A_349 = arith.constant 2 : i32
        %mul3A_350 = arith.muli %sub3A_348, %mul3A_349 : i32
        %add3A_351 = arith.addi %mul3A_2, %mul3A_350 : i32
        %mul3A_352 = arith.constant 128 : i32
        %mul3A_353 = arith.muli %add3A_351, %mul3A_352 : i32
        %dma_wait3A_354 = arith.constant 2 : i32
        %dma_wait3A_355 = arith.constant 0 : i32
        %dma_wait3A_356 = arith.constant 0 : i32
        %dma_wait3A_357 = tpu.memref_slice %arg6[%dma_wait3A_354, %dma_wait3A_355, %dma_wait3A_356] : memref<3x256x128xf32, #tpu.memory_space<vmem>> -> memref<1x256x128xf32, #tpu.memory_space<vmem>>
        %dma_wait3A_358 = tpu.memref_squeeze %dma_wait3A_357 : memref<1x256x128xf32, #tpu.memory_space<vmem>> -> memref<256x128xf32, #tpu.memory_space<vmem>>
        %dma_wait3A_359 = arith.constant 0 : i32
        %dma_wait3A_360 = tpu.memref_slice %arg4[%mul3A_353, %dma_wait3A_359] : memref<819200x128xf32, #tpu.memory_space<hbm>> -> memref<256x128xf32, #tpu.memory_space<hbm>>
        %dma_wait3A_361 = arith.constant 0 : i32
        %dma_wait3A_362 = tpu.memref_slice %arg4[%mul3A_353, %dma_wait3A_361] : memref<819200x128xf32, #tpu.memory_space<hbm>> -> memref<256x128xf32, #tpu.memory_space<hbm>>
        %dma_wait3A_363 = arith.constant 0 : i32
        %dma_wait3A_364 = arith.constant 0 : i32
        %dma_wait3A_365 = tpu.memref_slice %arg6[%dma_wait3A_354, %dma_wait3A_363, %dma_wait3A_364] : memref<3x256x128xf32, #tpu.memory_space<vmem>> -> memref<1x256x128xf32, #tpu.memory_space<vmem>>
        %dma_wait3A_366 = tpu.memref_squeeze %dma_wait3A_365 : memref<1x256x128xf32, #tpu.memory_space<vmem>> -> memref<256x128xf32, #tpu.memory_space<vmem>>
        tpu.wait_dma2 semaphore(%arg12 : memref<!tpu.dma_semaphore, #tpu.memory_space<semaphore_mem>>) src(%dma_wait3A_366 : memref<256x128xf32, #tpu.memory_space<vmem>>) dst(%dma_wait3A_362 : memref<256x128xf32, #tpu.memory_space<hbm>>)
      } else {
      }
      %le3A = arith.constant 97 : i32
      %le3A_208 = arith.cmpi sle, %add3A_151, %le3A : i32
      %convert_element_type3A_209 = arith.extui %le3A_208 : i1 to i32
      %cond3A_210 = arith.constant 0 : i32
      %cond3A_211 = arith.cmpi ne, %convert_element_type3A_209, %cond3A_210 : i32
      scf.if %cond3A_211 {
        %add3A_348 = arith.constant 2 : i32
        %add3A_349 = arith.addi %add3A_151, %add3A_348 : i32
        %mul3A_350 = arith.constant 2 : i32
        %mul3A_351 = arith.muli %add3A_349, %mul3A_350 : i32
        %add3A_352 = arith.constant 0 : i32
        %add3A_353 = arith.addi %mul3A_351, %add3A_352 : i32
        %dma_start3A_354 = arith.constant 2 : i32
        %dma_start3A_355 = arith.constant 0 : i32
        %dma_start3A_356 = arith.constant 0 : i32
        %dma_start3A_357 = tpu.memref_slice %arg6[%dma_start3A_354, %dma_start3A_355, %dma_start3A_356] : memref<3x256x128xf32, #tpu.memory_space<vmem>> -> memref<1x256x128xf32, #tpu.memory_space<vmem>>
        %dma_start3A_358 = tpu.memref_squeeze %dma_start3A_357 : memref<1x256x128xf32, #tpu.memory_space<vmem>> -> memref<256x128xf32, #tpu.memory_space<vmem>>
        %dma_start3A_359 = arith.constant 0 : i32
        %dma_start3A_360 = arith.constant 0 : i32
        %dma_start3A_361 = tpu.memref_slice %dma_start3A_358[%dma_start3A_359, %dma_start3A_360] : memref<256x128xf32, #tpu.memory_space<vmem>> -> memref<128x128xf32, #tpu.memory_space<vmem>>
        %dma_start3A_362 = arith.constant 0 : i32
        %dma_start3A_363 = tpu.memref_slice %arg5[%add3A_353, %dma_start3A_362] : memref<200x128xi32, #tpu.memory_space<vmem>> -> memref<1x128xi32, #tpu.memory_space<vmem>>
        %dma_start3A_364 = tpu.memref_squeeze %dma_start3A_363 : memref<1x128xi32, #tpu.memory_space<vmem>> -> memref<128xi32, #tpu.memory_space<vmem>>
        %dma_start3A_365 = arith.constant 0 : i32
        %dma_start3A_366 = arith.constant 0 : i32
        %dma_start3A_367 = tpu.memref_slice %arg3[%dma_start3A_365, %dma_start3A_366] : memref<100000x128xf32, #tpu.memory_space<hbm>> -> memref<100000x128xf32, #tpu.memory_space<hbm>>
        tpu.enqueue_indirect_dma source(%dma_start3A_367 : memref<100000x128xf32, #tpu.memory_space<hbm>>) target(%dma_start3A_361 : memref<128x128xf32, #tpu.memory_space<vmem>>) offsets(%dma_start3A_364 : memref<128xi32, #tpu.memory_space<vmem>>) semaphore(%arg9 : memref<!tpu.dma_semaphore, #tpu.memory_space<semaphore_mem>>)
        %mul3A_368 = arith.constant 2 : i32
        %mul3A_369 = arith.muli %add3A_349, %mul3A_368 : i32
        %add3A_370 = arith.constant 1 : i32
        %add3A_371 = arith.addi %mul3A_369, %add3A_370 : i32
        %dma_start3A_372 = arith.constant 2 : i32
        %dma_start3A_373 = arith.constant 0 : i32
        %dma_start3A_374 = arith.constant 0 : i32
        %dma_start3A_375 = tpu.memref_slice %arg6[%dma_start3A_372, %dma_start3A_373, %dma_start3A_374] : memref<3x256x128xf32, #tpu.memory_space<vmem>> -> memref<1x256x128xf32, #tpu.memory_space<vmem>>
        %dma_start3A_376 = tpu.memref_squeeze %dma_start3A_375 : memref<1x256x128xf32, #tpu.memory_space<vmem>> -> memref<256x128xf32, #tpu.memory_space<vmem>>
        %dma_start3A_377 = arith.constant 128 : i32
        %dma_start3A_378 = arith.constant 0 : i32
        %dma_start3A_379 = tpu.memref_slice %dma_start3A_376[%dma_start3A_377, %dma_start3A_378] : memref<256x128xf32, #tpu.memory_space<vmem>> -> memref<128x128xf32, #tpu.memory_space<vmem>>
        %dma_start3A_380 = arith.constant 0 : i32
        %dma_start3A_381 = tpu.memref_slice %arg5[%add3A_371, %dma_start3A_380] : memref<200x128xi32, #tpu.memory_space<vmem>> -> memref<1x128xi32, #tpu.memory_space<vmem>>
        %dma_start3A_382 = tpu.memref_squeeze %dma_start3A_381 : memref<1x128xi32, #tpu.memory_space<vmem>> -> memref<128xi32, #tpu.memory_space<vmem>>
        %dma_start3A_383 = arith.constant 0 : i32
        %dma_start3A_384 = arith.constant 0 : i32
        %dma_start3A_385 = tpu.memref_slice %arg3[%dma_start3A_383, %dma_start3A_384] : memref<100000x128xf32, #tpu.memory_space<hbm>> -> memref<100000x128xf32, #tpu.memory_space<hbm>>
        tpu.enqueue_indirect_dma source(%dma_start3A_385 : memref<100000x128xf32, #tpu.memory_space<hbm>>) target(%dma_start3A_379 : memref<128x128xf32, #tpu.memory_space<vmem>>) offsets(%dma_start3A_382 : memref<128xi32, #tpu.memory_space<vmem>>) semaphore(%arg9 : memref<!tpu.dma_semaphore, #tpu.memory_space<semaphore_mem>>)
      } else {
      }
      %mul3A_212 = arith.constant 3 : i32
      %mul3A_213 = arith.muli %scan3A_147, %mul3A_212 : i32
      %add3A_214 = arith.constant 1 : i32
      %add3A_215 = arith.addi %mul3A_213, %add3A_214 : i32
      %mul3A_216 = arith.constant 2 : i32
      %mul3A_217 = arith.muli %add3A_215, %mul3A_216 : i32
      %add3A_218 = arith.constant 0 : i32
      %add3A_219 = arith.addi %mul3A_217, %add3A_218 : i32
      %dma_wait3A_220 = arith.constant 1 : i32
      %dma_wait3A_221 = arith.constant 0 : i32
      %dma_wait3A_222 = arith.constant 0 : i32
      %dma_wait3A_223 = tpu.memref_slice %arg6[%dma_wait3A_220, %dma_wait3A_221, %dma_wait3A_222] : memref<3x256x128xf32, #tpu.memory_space<vmem>> -> memref<1x256x128xf32, #tpu.memory_space<vmem>>
      %dma_wait3A_224 = tpu.memref_squeeze %dma_wait3A_223 : memref<1x256x128xf32, #tpu.memory_space<vmem>> -> memref<256x128xf32, #tpu.memory_space<vmem>>
      %dma_wait3A_225 = arith.constant 0 : i32
      %dma_wait3A_226 = arith.constant 0 : i32
      %dma_wait3A_227 = tpu.memref_slice %dma_wait3A_224[%dma_wait3A_225, %dma_wait3A_226] : memref<256x128xf32, #tpu.memory_space<vmem>> -> memref<128x128xf32, #tpu.memory_space<vmem>>
      %dma_wait3A_228 = arith.constant 0 : i32
      %dma_wait3A_229 = tpu.memref_slice %arg5[%add3A_219, %dma_wait3A_228] : memref<200x128xi32, #tpu.memory_space<vmem>> -> memref<1x128xi32, #tpu.memory_space<vmem>>
      %dma_wait3A_230 = tpu.memref_squeeze %dma_wait3A_229 : memref<1x128xi32, #tpu.memory_space<vmem>> -> memref<128xi32, #tpu.memory_space<vmem>>
      %dma_wait3A_231 = arith.constant 0 : i32
      %dma_wait3A_232 = arith.constant 0 : i32
      %dma_wait3A_233 = tpu.memref_slice %arg3[%dma_wait3A_231, %dma_wait3A_232] : memref<100000x128xf32, #tpu.memory_space<hbm>> -> memref<100000x128xf32, #tpu.memory_space<hbm>>
      tpu.wait_indirect_dma semaphore(%arg8 : memref<!tpu.dma_semaphore, #tpu.memory_space<semaphore_mem>>) src(%dma_wait3A_233 : memref<100000x128xf32, #tpu.memory_space<hbm>>) dst(%dma_wait3A_227 : memref<128x128xf32, #tpu.memory_space<vmem>>)
      %mul3A_234 = arith.constant 2 : i32
      %mul3A_235 = arith.muli %add3A_215, %mul3A_234 : i32
      %add3A_236 = arith.constant 1 : i32
      %add3A_237 = arith.addi %mul3A_235, %add3A_236 : i32
      %dma_wait3A_238 = arith.constant 1 : i32
      %dma_wait3A_239 = arith.constant 0 : i32
      %dma_wait3A_240 = arith.constant 0 : i32
      %dma_wait3A_241 = tpu.memref_slice %arg6[%dma_wait3A_238, %dma_wait3A_239, %dma_wait3A_240] : memref<3x256x128xf32, #tpu.memory_space<vmem>> -> memref<1x256x128xf32, #tpu.memory_space<vmem>>
      %dma_wait3A_242 = tpu.memref_squeeze %dma_wait3A_241 : memref<1x256x128xf32, #tpu.memory_space<vmem>> -> memref<256x128xf32, #tpu.memory_space<vmem>>
      %dma_wait3A_243 = arith.constant 128 : i32
      %dma_wait3A_244 = arith.constant 0 : i32
      %dma_wait3A_245 = tpu.memref_slice %dma_wait3A_242[%dma_wait3A_243, %dma_wait3A_244] : memref<256x128xf32, #tpu.memory_space<vmem>> -> memref<128x128xf32, #tpu.memory_space<vmem>>
      %dma_wait3A_246 = arith.constant 0 : i32
      %dma_wait3A_247 = tpu.memref_slice %arg5[%add3A_237, %dma_wait3A_246] : memref<200x128xi32, #tpu.memory_space<vmem>> -> memref<1x128xi32, #tpu.memory_space<vmem>>
      %dma_wait3A_248 = tpu.memref_squeeze %dma_wait3A_247 : memref<1x128xi32, #tpu.memory_space<vmem>> -> memref<128xi32, #tpu.memory_space<vmem>>
      %dma_wait3A_249 = arith.constant 0 : i32
      %dma_wait3A_250 = arith.constant 0 : i32
      %dma_wait3A_251 = tpu.memref_slice %arg3[%dma_wait3A_249, %dma_wait3A_250] : memref<100000x128xf32, #tpu.memory_space<hbm>> -> memref<100000x128xf32, #tpu.memory_space<hbm>>
      tpu.wait_indirect_dma semaphore(%arg8 : memref<!tpu.dma_semaphore, #tpu.memory_space<semaphore_mem>>) src(%dma_wait3A_251 : memref<100000x128xf32, #tpu.memory_space<hbm>>) dst(%dma_wait3A_245 : memref<128x128xf32, #tpu.memory_space<vmem>>)
      %mul3A_252 = arith.constant 2 : i32
      %mul3A_253 = arith.muli %add3A_215, %mul3A_252 : i32
      %add3A_254 = arith.addi %mul3A_2, %mul3A_253 : i32
      %mul3A_255 = arith.constant 128 : i32
      %mul3A_256 = arith.muli %add3A_254, %mul3A_255 : i32
      %dma_start3A_257 = arith.constant 1 : i32
      %dma_start3A_258 = arith.constant 0 : i32
      %dma_start3A_259 = arith.constant 0 : i32
      %dma_start3A_260 = tpu.memref_slice %arg6[%dma_start3A_257, %dma_start3A_258, %dma_start3A_259] : memref<3x256x128xf32, #tpu.memory_space<vmem>> -> memref<1x256x128xf32, #tpu.memory_space<vmem>>
      %dma_start3A_261 = tpu.memref_squeeze %dma_start3A_260 : memref<1x256x128xf32, #tpu.memory_space<vmem>> -> memref<256x128xf32, #tpu.memory_space<vmem>>
      %dma_start3A_262 = arith.constant 0 : i32
      %dma_start3A_263 = tpu.memref_slice %arg4[%mul3A_256, %dma_start3A_262] : memref<819200x128xf32, #tpu.memory_space<hbm>> -> memref<256x128xf32, #tpu.memory_space<hbm>>
      %dma_start3A_264 = arith.constant 0 : i32
      %dma_start3A_265 = tpu.memref_slice %arg4[%mul3A_256, %dma_start3A_264] : memref<819200x128xf32, #tpu.memory_space<hbm>> -> memref<256x128xf32, #tpu.memory_space<hbm>>
      %dma_start3A_266 = arith.constant 0 : i32
      %dma_start3A_267 = arith.constant 0 : i32
      %dma_start3A_268 = tpu.memref_slice %arg6[%dma_start3A_257, %dma_start3A_266, %dma_start3A_267] : memref<3x256x128xf32, #tpu.memory_space<vmem>> -> memref<1x256x128xf32, #tpu.memory_space<vmem>>
      %dma_start3A_269 = tpu.memref_squeeze %dma_start3A_268 : memref<1x256x128xf32, #tpu.memory_space<vmem>> -> memref<256x128xf32, #tpu.memory_space<vmem>>
      tpu.enqueue_dma source(%dma_start3A_269 : memref<256x128xf32, #tpu.memory_space<vmem>>) target(%dma_start3A_265 : memref<256x128xf32, #tpu.memory_space<hbm>>) target_semaphore(%arg11 : memref<!tpu.dma_semaphore, #tpu.memory_space<semaphore_mem>>)
      %ge3A_270 = arith.constant 1 : i32
      %ge3A_271 = arith.cmpi sge, %add3A_215, %ge3A_270 : i32
      %convert_element_type3A_272 = arith.extui %ge3A_271 : i1 to i32
      %cond3A_273 = arith.constant 0 : i32
      %cond3A_274 = arith.cmpi ne, %convert_element_type3A_272, %cond3A_273 : i32
      scf.if %cond3A_274 {
        %sub3A = arith.constant 1 : i32
        %sub3A_348 = arith.subi %add3A_215, %sub3A : i32
        %mul3A_349 = arith.constant 2 : i32
        %mul3A_350 = arith.muli %sub3A_348, %mul3A_349 : i32
        %add3A_351 = arith.addi %mul3A_2, %mul3A_350 : i32
        %mul3A_352 = arith.constant 128 : i32
        %mul3A_353 = arith.muli %add3A_351, %mul3A_352 : i32
        %dma_wait3A_354 = arith.constant 0 : i32
        %dma_wait3A_355 = arith.constant 0 : i32
        %dma_wait3A_356 = arith.constant 0 : i32
        %dma_wait3A_357 = tpu.memref_slice %arg6[%dma_wait3A_354, %dma_wait3A_355, %dma_wait3A_356] : memref<3x256x128xf32, #tpu.memory_space<vmem>> -> memref<1x256x128xf32, #tpu.memory_space<vmem>>
        %dma_wait3A_358 = tpu.memref_squeeze %dma_wait3A_357 : memref<1x256x128xf32, #tpu.memory_space<vmem>> -> memref<256x128xf32, #tpu.memory_space<vmem>>
        %dma_wait3A_359 = arith.constant 0 : i32
        %dma_wait3A_360 = tpu.memref_slice %arg4[%mul3A_353, %dma_wait3A_359] : memref<819200x128xf32, #tpu.memory_space<hbm>> -> memref<256x128xf32, #tpu.memory_space<hbm>>
        %dma_wait3A_361 = arith.constant 0 : i32
        %dma_wait3A_362 = tpu.memref_slice %arg4[%mul3A_353, %dma_wait3A_361] : memref<819200x128xf32, #tpu.memory_space<hbm>> -> memref<256x128xf32, #tpu.memory_space<hbm>>
        %dma_wait3A_363 = arith.constant 0 : i32
        %dma_wait3A_364 = arith.constant 0 : i32
        %dma_wait3A_365 = tpu.memref_slice %arg6[%dma_wait3A_354, %dma_wait3A_363, %dma_wait3A_364] : memref<3x256x128xf32, #tpu.memory_space<vmem>> -> memref<1x256x128xf32, #tpu.memory_space<vmem>>
        %dma_wait3A_366 = tpu.memref_squeeze %dma_wait3A_365 : memref<1x256x128xf32, #tpu.memory_space<vmem>> -> memref<256x128xf32, #tpu.memory_space<vmem>>
        tpu.wait_dma2 semaphore(%arg10 : memref<!tpu.dma_semaphore, #tpu.memory_space<semaphore_mem>>) src(%dma_wait3A_366 : memref<256x128xf32, #tpu.memory_space<vmem>>) dst(%dma_wait3A_362 : memref<256x128xf32, #tpu.memory_space<hbm>>)
      } else {
      }
      %le3A_275 = arith.constant 97 : i32
      %le3A_276 = arith.cmpi sle, %add3A_215, %le3A_275 : i32
      %convert_element_type3A_277 = arith.extui %le3A_276 : i1 to i32
      %cond3A_278 = arith.constant 0 : i32
      %cond3A_279 = arith.cmpi ne, %convert_element_type3A_277, %cond3A_278 : i32
      scf.if %cond3A_279 {
        %add3A_348 = arith.constant 2 : i32
        %add3A_349 = arith.addi %add3A_215, %add3A_348 : i32
        %mul3A_350 = arith.constant 2 : i32
        %mul3A_351 = arith.muli %add3A_349, %mul3A_350 : i32
        %add3A_352 = arith.constant 0 : i32
        %add3A_353 = arith.addi %mul3A_351, %add3A_352 : i32
        %dma_start3A_354 = arith.constant 0 : i32
        %dma_start3A_355 = arith.constant 0 : i32
        %dma_start3A_356 = arith.constant 0 : i32
        %dma_start3A_357 = tpu.memref_slice %arg6[%dma_start3A_354, %dma_start3A_355, %dma_start3A_356] : memref<3x256x128xf32, #tpu.memory_space<vmem>> -> memref<1x256x128xf32, #tpu.memory_space<vmem>>
        %dma_start3A_358 = tpu.memref_squeeze %dma_start3A_357 : memref<1x256x128xf32, #tpu.memory_space<vmem>> -> memref<256x128xf32, #tpu.memory_space<vmem>>
        %dma_start3A_359 = arith.constant 0 : i32
        %dma_start3A_360 = arith.constant 0 : i32
        %dma_start3A_361 = tpu.memref_slice %dma_start3A_358[%dma_start3A_359, %dma_start3A_360] : memref<256x128xf32, #tpu.memory_space<vmem>> -> memref<128x128xf32, #tpu.memory_space<vmem>>
        %dma_start3A_362 = arith.constant 0 : i32
        %dma_start3A_363 = tpu.memref_slice %arg5[%add3A_353, %dma_start3A_362] : memref<200x128xi32, #tpu.memory_space<vmem>> -> memref<1x128xi32, #tpu.memory_space<vmem>>
        %dma_start3A_364 = tpu.memref_squeeze %dma_start3A_363 : memref<1x128xi32, #tpu.memory_space<vmem>> -> memref<128xi32, #tpu.memory_space<vmem>>
        %dma_start3A_365 = arith.constant 0 : i32
        %dma_start3A_366 = arith.constant 0 : i32
        %dma_start3A_367 = tpu.memref_slice %arg3[%dma_start3A_365, %dma_start3A_366] : memref<100000x128xf32, #tpu.memory_space<hbm>> -> memref<100000x128xf32, #tpu.memory_space<hbm>>
        tpu.enqueue_indirect_dma source(%dma_start3A_367 : memref<100000x128xf32, #tpu.memory_space<hbm>>) target(%dma_start3A_361 : memref<128x128xf32, #tpu.memory_space<vmem>>) offsets(%dma_start3A_364 : memref<128xi32, #tpu.memory_space<vmem>>) semaphore(%arg7 : memref<!tpu.dma_semaphore, #tpu.memory_space<semaphore_mem>>)
        %mul3A_368 = arith.constant 2 : i32
        %mul3A_369 = arith.muli %add3A_349, %mul3A_368 : i32
        %add3A_370 = arith.constant 1 : i32
        %add3A_371 = arith.addi %mul3A_369, %add3A_370 : i32
        %dma_start3A_372 = arith.constant 0 : i32
        %dma_start3A_373 = arith.constant 0 : i32
        %dma_start3A_374 = arith.constant 0 : i32
        %dma_start3A_375 = tpu.memref_slice %arg6[%dma_start3A_372, %dma_start3A_373, %dma_start3A_374] : memref<3x256x128xf32, #tpu.memory_space<vmem>> -> memref<1x256x128xf32, #tpu.memory_space<vmem>>
        %dma_start3A_376 = tpu.memref_squeeze %dma_start3A_375 : memref<1x256x128xf32, #tpu.memory_space<vmem>> -> memref<256x128xf32, #tpu.memory_space<vmem>>
        %dma_start3A_377 = arith.constant 128 : i32
        %dma_start3A_378 = arith.constant 0 : i32
        %dma_start3A_379 = tpu.memref_slice %dma_start3A_376[%dma_start3A_377, %dma_start3A_378] : memref<256x128xf32, #tpu.memory_space<vmem>> -> memref<128x128xf32, #tpu.memory_space<vmem>>
        %dma_start3A_380 = arith.constant 0 : i32
        %dma_start3A_381 = tpu.memref_slice %arg5[%add3A_371, %dma_start3A_380] : memref<200x128xi32, #tpu.memory_space<vmem>> -> memref<1x128xi32, #tpu.memory_space<vmem>>
        %dma_start3A_382 = tpu.memref_squeeze %dma_start3A_381 : memref<1x128xi32, #tpu.memory_space<vmem>> -> memref<128xi32, #tpu.memory_space<vmem>>
        %dma_start3A_383 = arith.constant 0 : i32
        %dma_start3A_384 = arith.constant 0 : i32
        %dma_start3A_385 = tpu.memref_slice %arg3[%dma_start3A_383, %dma_start3A_384] : memref<100000x128xf32, #tpu.memory_space<hbm>> -> memref<100000x128xf32, #tpu.memory_space<hbm>>
        tpu.enqueue_indirect_dma source(%dma_start3A_385 : memref<100000x128xf32, #tpu.memory_space<hbm>>) target(%dma_start3A_379 : memref<128x128xf32, #tpu.memory_space<vmem>>) offsets(%dma_start3A_382 : memref<128xi32, #tpu.memory_space<vmem>>) semaphore(%arg7 : memref<!tpu.dma_semaphore, #tpu.memory_space<semaphore_mem>>)
      } else {
      }
      %mul3A_280 = arith.constant 3 : i32
      %mul3A_281 = arith.muli %scan3A_147, %mul3A_280 : i32
      %add3A_282 = arith.constant 2 : i32
      %add3A_283 = arith.addi %mul3A_281, %add3A_282 : i32
      %mul3A_284 = arith.constant 2 : i32
      %mul3A_285 = arith.muli %add3A_283, %mul3A_284 : i32
      %add3A_286 = arith.constant 0 : i32
      %add3A_287 = arith.addi %mul3A_285, %add3A_286 : i32
      %dma_wait3A_288 = arith.constant 2 : i32
      %dma_wait3A_289 = arith.constant 0 : i32
      %dma_wait3A_290 = arith.constant 0 : i32
      %dma_wait3A_291 = tpu.memref_slice %arg6[%dma_wait3A_288, %dma_wait3A_289, %dma_wait3A_290] : memref<3x256x128xf32, #tpu.memory_space<vmem>> -> memref<1x256x128xf32, #tpu.memory_space<vmem>>
      %dma_wait3A_292 = tpu.memref_squeeze %dma_wait3A_291 : memref<1x256x128xf32, #tpu.memory_space<vmem>> -> memref<256x128xf32, #tpu.memory_space<vmem>>
      %dma_wait3A_293 = arith.constant 0 : i32
      %dma_wait3A_294 = arith.constant 0 : i32
      %dma_wait3A_295 = tpu.memref_slice %dma_wait3A_292[%dma_wait3A_293, %dma_wait3A_294] : memref<256x128xf32, #tpu.memory_space<vmem>> -> memref<128x128xf32, #tpu.memory_space<vmem>>
      %dma_wait3A_296 = arith.constant 0 : i32
      %dma_wait3A_297 = tpu.memref_slice %arg5[%add3A_287, %dma_wait3A_296] : memref<200x128xi32, #tpu.memory_space<vmem>> -> memref<1x128xi32, #tpu.memory_space<vmem>>
      %dma_wait3A_298 = tpu.memref_squeeze %dma_wait3A_297 : memref<1x128xi32, #tpu.memory_space<vmem>> -> memref<128xi32, #tpu.memory_space<vmem>>
      %dma_wait3A_299 = arith.constant 0 : i32
      %dma_wait3A_300 = arith.constant 0 : i32
      %dma_wait3A_301 = tpu.memref_slice %arg3[%dma_wait3A_299, %dma_wait3A_300] : memref<100000x128xf32, #tpu.memory_space<hbm>> -> memref<100000x128xf32, #tpu.memory_space<hbm>>
      tpu.wait_indirect_dma semaphore(%arg9 : memref<!tpu.dma_semaphore, #tpu.memory_space<semaphore_mem>>) src(%dma_wait3A_301 : memref<100000x128xf32, #tpu.memory_space<hbm>>) dst(%dma_wait3A_295 : memref<128x128xf32, #tpu.memory_space<vmem>>)
      %mul3A_302 = arith.constant 2 : i32
      %mul3A_303 = arith.muli %add3A_283, %mul3A_302 : i32
      %add3A_304 = arith.constant 1 : i32
      %add3A_305 = arith.addi %mul3A_303, %add3A_304 : i32
      %dma_wait3A_306 = arith.constant 2 : i32
      %dma_wait3A_307 = arith.constant 0 : i32
      %dma_wait3A_308 = arith.constant 0 : i32
      %dma_wait3A_309 = tpu.memref_slice %arg6[%dma_wait3A_306, %dma_wait3A_307, %dma_wait3A_308] : memref<3x256x128xf32, #tpu.memory_space<vmem>> -> memref<1x256x128xf32, #tpu.memory_space<vmem>>
      %dma_wait3A_310 = tpu.memref_squeeze %dma_wait3A_309 : memref<1x256x128xf32, #tpu.memory_space<vmem>> -> memref<256x128xf32, #tpu.memory_space<vmem>>
      %dma_wait3A_311 = arith.constant 128 : i32
      %dma_wait3A_312 = arith.constant 0 : i32
      %dma_wait3A_313 = tpu.memref_slice %dma_wait3A_310[%dma_wait3A_311, %dma_wait3A_312] : memref<256x128xf32, #tpu.memory_space<vmem>> -> memref<128x128xf32, #tpu.memory_space<vmem>>
      %dma_wait3A_314 = arith.constant 0 : i32
      %dma_wait3A_315 = tpu.memref_slice %arg5[%add3A_305, %dma_wait3A_314] : memref<200x128xi32, #tpu.memory_space<vmem>> -> memref<1x128xi32, #tpu.memory_space<vmem>>
      %dma_wait3A_316 = tpu.memref_squeeze %dma_wait3A_315 : memref<1x128xi32, #tpu.memory_space<vmem>> -> memref<128xi32, #tpu.memory_space<vmem>>
      %dma_wait3A_317 = arith.constant 0 : i32
      %dma_wait3A_318 = arith.constant 0 : i32
      %dma_wait3A_319 = tpu.memref_slice %arg3[%dma_wait3A_317, %dma_wait3A_318] : memref<100000x128xf32, #tpu.memory_space<hbm>> -> memref<100000x128xf32, #tpu.memory_space<hbm>>
      tpu.wait_indirect_dma semaphore(%arg9 : memref<!tpu.dma_semaphore, #tpu.memory_space<semaphore_mem>>) src(%dma_wait3A_319 : memref<100000x128xf32, #tpu.memory_space<hbm>>) dst(%dma_wait3A_313 : memref<128x128xf32, #tpu.memory_space<vmem>>)
      %mul3A_320 = arith.constant 2 : i32
      %mul3A_321 = arith.muli %add3A_283, %mul3A_320 : i32
      %add3A_322 = arith.addi %mul3A_2, %mul3A_321 : i32
      %mul3A_323 = arith.constant 128 : i32
      %mul3A_324 = arith.muli %add3A_322, %mul3A_323 : i32
      %dma_start3A_325 = arith.constant 2 : i32
      %dma_start3A_326 = arith.constant 0 : i32
      %dma_start3A_327 = arith.constant 0 : i32
      %dma_start3A_328 = tpu.memref_slice %arg6[%dma_start3A_325, %dma_start3A_326, %dma_start3A_327] : memref<3x256x128xf32, #tpu.memory_space<vmem>> -> memref<1x256x128xf32, #tpu.memory_space<vmem>>
      %dma_start3A_329 = tpu.memref_squeeze %dma_start3A_328 : memref<1x256x128xf32, #tpu.memory_space<vmem>> -> memref<256x128xf32, #tpu.memory_space<vmem>>
      %dma_start3A_330 = arith.constant 0 : i32
      %dma_start3A_331 = tpu.memref_slice %arg4[%mul3A_324, %dma_start3A_330] : memref<819200x128xf32, #tpu.memory_space<hbm>> -> memref<256x128xf32, #tpu.memory_space<hbm>>
      %dma_start3A_332 = arith.constant 0 : i32
      %dma_start3A_333 = tpu.memref_slice %arg4[%mul3A_324, %dma_start3A_332] : memref<819200x128xf32, #tpu.memory_space<hbm>> -> memref<256x128xf32, #tpu.memory_space<hbm>>
      %dma_start3A_334 = arith.constant 0 : i32
      %dma_start3A_335 = arith.constant 0 : i32
      %dma_start3A_336 = tpu.memref_slice %arg6[%dma_start3A_325, %dma_start3A_334, %dma_start3A_335] : memref<3x256x128xf32, #tpu.memory_space<vmem>> -> memref<1x256x128xf32, #tpu.memory_space<vmem>>
      %dma_start3A_337 = tpu.memref_squeeze %dma_start3A_336 : memref<1x256x128xf32, #tpu.memory_space<vmem>> -> memref<256x128xf32, #tpu.memory_space<vmem>>
      tpu.enqueue_dma source(%dma_start3A_337 : memref<256x128xf32, #tpu.memory_space<vmem>>) target(%dma_start3A_333 : memref<256x128xf32, #tpu.memory_space<hbm>>) target_semaphore(%arg12 : memref<!tpu.dma_semaphore, #tpu.memory_space<semaphore_mem>>)
      %ge3A_338 = arith.constant 1 : i32
      %ge3A_339 = arith.cmpi sge, %add3A_283, %ge3A_338 : i32
      %convert_element_type3A_340 = arith.extui %ge3A_339 : i1 to i32
      %cond3A_341 = arith.constant 0 : i32
      %cond3A_342 = arith.cmpi ne, %convert_element_type3A_340, %cond3A_341 : i32
      scf.if %cond3A_342 {
        %sub3A = arith.constant 1 : i32
        %sub3A_348 = arith.subi %add3A_283, %sub3A : i32
        %mul3A_349 = arith.constant 2 : i32
        %mul3A_350 = arith.muli %sub3A_348, %mul3A_349 : i32
        %add3A_351 = arith.addi %mul3A_2, %mul3A_350 : i32
        %mul3A_352 = arith.constant 128 : i32
        %mul3A_353 = arith.muli %add3A_351, %mul3A_352 : i32
        %dma_wait3A_354 = arith.constant 1 : i32
        %dma_wait3A_355 = arith.constant 0 : i32
        %dma_wait3A_356 = arith.constant 0 : i32
        %dma_wait3A_357 = tpu.memref_slice %arg6[%dma_wait3A_354, %dma_wait3A_355, %dma_wait3A_356] : memref<3x256x128xf32, #tpu.memory_space<vmem>> -> memref<1x256x128xf32, #tpu.memory_space<vmem>>
        %dma_wait3A_358 = tpu.memref_squeeze %dma_wait3A_357 : memref<1x256x128xf32, #tpu.memory_space<vmem>> -> memref<256x128xf32, #tpu.memory_space<vmem>>
        %dma_wait3A_359 = arith.constant 0 : i32
        %dma_wait3A_360 = tpu.memref_slice %arg4[%mul3A_353, %dma_wait3A_359] : memref<819200x128xf32, #tpu.memory_space<hbm>> -> memref<256x128xf32, #tpu.memory_space<hbm>>
        %dma_wait3A_361 = arith.constant 0 : i32
        %dma_wait3A_362 = tpu.memref_slice %arg4[%mul3A_353, %dma_wait3A_361] : memref<819200x128xf32, #tpu.memory_space<hbm>> -> memref<256x128xf32, #tpu.memory_space<hbm>>
        %dma_wait3A_363 = arith.constant 0 : i32
        %dma_wait3A_364 = arith.constant 0 : i32
        %dma_wait3A_365 = tpu.memref_slice %arg6[%dma_wait3A_354, %dma_wait3A_363, %dma_wait3A_364] : memref<3x256x128xf32, #tpu.memory_space<vmem>> -> memref<1x256x128xf32, #tpu.memory_space<vmem>>
        %dma_wait3A_366 = tpu.memref_squeeze %dma_wait3A_365 : memref<1x256x128xf32, #tpu.memory_space<vmem>> -> memref<256x128xf32, #tpu.memory_space<vmem>>
        tpu.wait_dma2 semaphore(%arg11 : memref<!tpu.dma_semaphore, #tpu.memory_space<semaphore_mem>>) src(%dma_wait3A_366 : memref<256x128xf32, #tpu.memory_space<vmem>>) dst(%dma_wait3A_362 : memref<256x128xf32, #tpu.memory_space<hbm>>)
      } else {
      }
      %le3A_343 = arith.constant 97 : i32
      %le3A_344 = arith.cmpi sle, %add3A_283, %le3A_343 : i32
      %convert_element_type3A_345 = arith.extui %le3A_344 : i1 to i32
      %cond3A_346 = arith.constant 0 : i32
      %cond3A_347 = arith.cmpi ne, %convert_element_type3A_345, %cond3A_346 : i32
      scf.if %cond3A_347 {
        %add3A_348 = arith.constant 2 : i32
        %add3A_349 = arith.addi %add3A_283, %add3A_348 : i32
        %mul3A_350 = arith.constant 2 : i32
        %mul3A_351 = arith.muli %add3A_349, %mul3A_350 : i32
        %add3A_352 = arith.constant 0 : i32
        %add3A_353 = arith.addi %mul3A_351, %add3A_352 : i32
        %dma_start3A_354 = arith.constant 1 : i32
        %dma_start3A_355 = arith.constant 0 : i32
        %dma_start3A_356 = arith.constant 0 : i32
        %dma_start3A_357 = tpu.memref_slice %arg6[%dma_start3A_354, %dma_start3A_355, %dma_start3A_356] : memref<3x256x128xf32, #tpu.memory_space<vmem>> -> memref<1x256x128xf32, #tpu.memory_space<vmem>>
        %dma_start3A_358 = tpu.memref_squeeze %dma_start3A_357 : memref<1x256x128xf32, #tpu.memory_space<vmem>> -> memref<256x128xf32, #tpu.memory_space<vmem>>
        %dma_start3A_359 = arith.constant 0 : i32
        %dma_start3A_360 = arith.constant 0 : i32
        %dma_start3A_361 = tpu.memref_slice %dma_start3A_358[%dma_start3A_359, %dma_start3A_360] : memref<256x128xf32, #tpu.memory_space<vmem>> -> memref<128x128xf32, #tpu.memory_space<vmem>>
        %dma_start3A_362 = arith.constant 0 : i32
        %dma_start3A_363 = tpu.memref_slice %arg5[%add3A_353, %dma_start3A_362] : memref<200x128xi32, #tpu.memory_space<vmem>> -> memref<1x128xi32, #tpu.memory_space<vmem>>
        %dma_start3A_364 = tpu.memref_squeeze %dma_start3A_363 : memref<1x128xi32, #tpu.memory_space<vmem>> -> memref<128xi32, #tpu.memory_space<vmem>>
        %dma_start3A_365 = arith.constant 0 : i32
        %dma_start3A_366 = arith.constant 0 : i32
        %dma_start3A_367 = tpu.memref_slice %arg3[%dma_start3A_365, %dma_start3A_366] : memref<100000x128xf32, #tpu.memory_space<hbm>> -> memref<100000x128xf32, #tpu.memory_space<hbm>>
        tpu.enqueue_indirect_dma source(%dma_start3A_367 : memref<100000x128xf32, #tpu.memory_space<hbm>>) target(%dma_start3A_361 : memref<128x128xf32, #tpu.memory_space<vmem>>) offsets(%dma_start3A_364 : memref<128xi32, #tpu.memory_space<vmem>>) semaphore(%arg8 : memref<!tpu.dma_semaphore, #tpu.memory_space<semaphore_mem>>)
        %mul3A_368 = arith.constant 2 : i32
        %mul3A_369 = arith.muli %add3A_349, %mul3A_368 : i32
        %add3A_370 = arith.constant 1 : i32
        %add3A_371 = arith.addi %mul3A_369, %add3A_370 : i32
        %dma_start3A_372 = arith.constant 1 : i32
        %dma_start3A_373 = arith.constant 0 : i32
        %dma_start3A_374 = arith.constant 0 : i32
        %dma_start3A_375 = tpu.memref_slice %arg6[%dma_start3A_372, %dma_start3A_373, %dma_start3A_374] : memref<3x256x128xf32, #tpu.memory_space<vmem>> -> memref<1x256x128xf32, #tpu.memory_space<vmem>>
        %dma_start3A_376 = tpu.memref_squeeze %dma_start3A_375 : memref<1x256x128xf32, #tpu.memory_space<vmem>> -> memref<256x128xf32, #tpu.memory_space<vmem>>
        %dma_start3A_377 = arith.constant 128 : i32
        %dma_start3A_378 = arith.constant 0 : i32
        %dma_start3A_379 = tpu.memref_slice %dma_start3A_376[%dma_start3A_377, %dma_start3A_378] : memref<256x128xf32, #tpu.memory_space<vmem>> -> memref<128x128xf32, #tpu.memory_space<vmem>>
        %dma_start3A_380 = arith.constant 0 : i32
        %dma_start3A_381 = tpu.memref_slice %arg5[%add3A_371, %dma_start3A_380] : memref<200x128xi32, #tpu.memory_space<vmem>> -> memref<1x128xi32, #tpu.memory_space<vmem>>
        %dma_start3A_382 = tpu.memref_squeeze %dma_start3A_381 : memref<1x128xi32, #tpu.memory_space<vmem>> -> memref<128xi32, #tpu.memory_space<vmem>>
        %dma_start3A_383 = arith.constant 0 : i32
        %dma_start3A_384 = arith.constant 0 : i32
        %dma_start3A_385 = tpu.memref_slice %arg3[%dma_start3A_383, %dma_start3A_384] : memref<100000x128xf32, #tpu.memory_space<hbm>> -> memref<100000x128xf32, #tpu.memory_space<hbm>>
        tpu.enqueue_indirect_dma source(%dma_start3A_385 : memref<100000x128xf32, #tpu.memory_space<hbm>>) target(%dma_start3A_379 : memref<128x128xf32, #tpu.memory_space<vmem>>) offsets(%dma_start3A_382 : memref<128xi32, #tpu.memory_space<vmem>>) semaphore(%arg8 : memref<!tpu.dma_semaphore, #tpu.memory_space<semaphore_mem>>)
      } else {
      }
    }
    %scan3A_66 = arith.constant 33 : i32
    %dma_wait3A = arith.constant 198 : i32
    %dma_wait3A_67 = arith.constant 0 : i32
    %dma_wait3A_68 = arith.constant 0 : i32
    %dma_wait3A_69 = arith.constant 0 : i32
    %dma_wait3A_70 = tpu.memref_slice %arg6[%dma_wait3A_67, %dma_wait3A_68, %dma_wait3A_69] : memref<3x256x128xf32, #tpu.memory_space<vmem>> -> memref<1x256x128xf32, #tpu.memory_space<vmem>>
    %dma_wait3A_71 = tpu.memref_squeeze %dma_wait3A_70 : memref<1x256x128xf32, #tpu.memory_space<vmem>> -> memref<256x128xf32, #tpu.memory_space<vmem>>
    %dma_wait3A_72 = arith.constant 0 : i32
    %dma_wait3A_73 = arith.constant 0 : i32
    %dma_wait3A_74 = tpu.memref_slice %dma_wait3A_71[%dma_wait3A_72, %dma_wait3A_73] : memref<256x128xf32, #tpu.memory_space<vmem>> -> memref<128x128xf32, #tpu.memory_space<vmem>>
    %dma_wait3A_75 = arith.constant 0 : i32
    %dma_wait3A_76 = tpu.memref_slice %arg5[%dma_wait3A, %dma_wait3A_75] : memref<200x128xi32, #tpu.memory_space<vmem>> -> memref<1x128xi32, #tpu.memory_space<vmem>>
    %dma_wait3A_77 = tpu.memref_squeeze %dma_wait3A_76 : memref<1x128xi32, #tpu.memory_space<vmem>> -> memref<128xi32, #tpu.memory_space<vmem>>
    %dma_wait3A_78 = arith.constant 0 : i32
    %dma_wait3A_79 = arith.constant 0 : i32
    %dma_wait3A_80 = tpu.memref_slice %arg3[%dma_wait3A_78, %dma_wait3A_79] : memref<100000x128xf32, #tpu.memory_space<hbm>> -> memref<100000x128xf32, #tpu.memory_space<hbm>>
    tpu.wait_indirect_dma semaphore(%arg7 : memref<!tpu.dma_semaphore, #tpu.memory_space<semaphore_mem>>) src(%dma_wait3A_80 : memref<100000x128xf32, #tpu.memory_space<hbm>>) dst(%dma_wait3A_74 : memref<128x128xf32, #tpu.memory_space<vmem>>)
    %dma_wait3A_81 = arith.constant 199 : i32
    %dma_wait3A_82 = arith.constant 0 : i32
    %dma_wait3A_83 = arith.constant 0 : i32
    %dma_wait3A_84 = arith.constant 0 : i32
    %dma_wait3A_85 = tpu.memref_slice %arg6[%dma_wait3A_82, %dma_wait3A_83, %dma_wait3A_84] : memref<3x256x128xf32, #tpu.memory_space<vmem>> -> memref<1x256x128xf32, #tpu.memory_space<vmem>>
    %dma_wait3A_86 = tpu.memref_squeeze %dma_wait3A_85 : memref<1x256x128xf32, #tpu.memory_space<vmem>> -> memref<256x128xf32, #tpu.memory_space<vmem>>
    %dma_wait3A_87 = arith.constant 128 : i32
    %dma_wait3A_88 = arith.constant 0 : i32
    %dma_wait3A_89 = tpu.memref_slice %dma_wait3A_86[%dma_wait3A_87, %dma_wait3A_88] : memref<256x128xf32, #tpu.memory_space<vmem>> -> memref<128x128xf32, #tpu.memory_space<vmem>>
    %dma_wait3A_90 = arith.constant 0 : i32
    %dma_wait3A_91 = tpu.memref_slice %arg5[%dma_wait3A_81, %dma_wait3A_90] : memref<200x128xi32, #tpu.memory_space<vmem>> -> memref<1x128xi32, #tpu.memory_space<vmem>>
    %dma_wait3A_92 = tpu.memref_squeeze %dma_wait3A_91 : memref<1x128xi32, #tpu.memory_space<vmem>> -> memref<128xi32, #tpu.memory_space<vmem>>
    %dma_wait3A_93 = arith.constant 0 : i32
    %dma_wait3A_94 = arith.constant 0 : i32
    %dma_wait3A_95 = tpu.memref_slice %arg3[%dma_wait3A_93, %dma_wait3A_94] : memref<100000x128xf32, #tpu.memory_space<hbm>> -> memref<100000x128xf32, #tpu.memory_space<hbm>>
    tpu.wait_indirect_dma semaphore(%arg7 : memref<!tpu.dma_semaphore, #tpu.memory_space<semaphore_mem>>) src(%dma_wait3A_95 : memref<100000x128xf32, #tpu.memory_space<hbm>>) dst(%dma_wait3A_89 : memref<128x128xf32, #tpu.memory_space<vmem>>)
    %add3A_96 = arith.constant 198 : i32
    %add3A_97 = arith.addi %mul3A_2, %add3A_96 : i32
    %mul3A_98 = arith.constant 128 : i32
    %mul3A_99 = arith.muli %add3A_97, %mul3A_98 : i32
    %dma_start3A_100 = arith.constant 0 : i32
    %dma_start3A_101 = arith.constant 0 : i32
    %dma_start3A_102 = arith.constant 0 : i32
    %dma_start3A_103 = tpu.memref_slice %arg6[%dma_start3A_100, %dma_start3A_101, %dma_start3A_102] : memref<3x256x128xf32, #tpu.memory_space<vmem>> -> memref<1x256x128xf32, #tpu.memory_space<vmem>>
    %dma_start3A_104 = tpu.memref_squeeze %dma_start3A_103 : memref<1x256x128xf32, #tpu.memory_space<vmem>> -> memref<256x128xf32, #tpu.memory_space<vmem>>
    %dma_start3A_105 = arith.constant 0 : i32
    %dma_start3A_106 = tpu.memref_slice %arg4[%mul3A_99, %dma_start3A_105] : memref<819200x128xf32, #tpu.memory_space<hbm>> -> memref<256x128xf32, #tpu.memory_space<hbm>>
    %dma_start3A_107 = arith.constant 0 : i32
    %dma_start3A_108 = tpu.memref_slice %arg4[%mul3A_99, %dma_start3A_107] : memref<819200x128xf32, #tpu.memory_space<hbm>> -> memref<256x128xf32, #tpu.memory_space<hbm>>
    %dma_start3A_109 = arith.constant 0 : i32
    %dma_start3A_110 = arith.constant 0 : i32
    %dma_start3A_111 = tpu.memref_slice %arg6[%dma_start3A_100, %dma_start3A_109, %dma_start3A_110] : memref<3x256x128xf32, #tpu.memory_space<vmem>> -> memref<1x256x128xf32, #tpu.memory_space<vmem>>
    %dma_start3A_112 = tpu.memref_squeeze %dma_start3A_111 : memref<1x256x128xf32, #tpu.memory_space<vmem>> -> memref<256x128xf32, #tpu.memory_space<vmem>>
    tpu.enqueue_dma source(%dma_start3A_112 : memref<256x128xf32, #tpu.memory_space<vmem>>) target(%dma_start3A_108 : memref<256x128xf32, #tpu.memory_space<hbm>>) target_semaphore(%arg10 : memref<!tpu.dma_semaphore, #tpu.memory_space<semaphore_mem>>)
    %add3A_113 = arith.constant 196 : i32
    %add3A_114 = arith.addi %mul3A_2, %add3A_113 : i32
    %mul3A_115 = arith.constant 128 : i32
    %mul3A_116 = arith.muli %add3A_114, %mul3A_115 : i32
    %dma_wait3A_117 = arith.constant 2 : i32
    %dma_wait3A_118 = arith.constant 0 : i32
    %dma_wait3A_119 = arith.constant 0 : i32
    %dma_wait3A_120 = tpu.memref_slice %arg6[%dma_wait3A_117, %dma_wait3A_118, %dma_wait3A_119] : memref<3x256x128xf32, #tpu.memory_space<vmem>> -> memref<1x256x128xf32, #tpu.memory_space<vmem>>
    %dma_wait3A_121 = tpu.memref_squeeze %dma_wait3A_120 : memref<1x256x128xf32, #tpu.memory_space<vmem>> -> memref<256x128xf32, #tpu.memory_space<vmem>>
    %dma_wait3A_122 = arith.constant 0 : i32
    %dma_wait3A_123 = tpu.memref_slice %arg4[%mul3A_116, %dma_wait3A_122] : memref<819200x128xf32, #tpu.memory_space<hbm>> -> memref<256x128xf32, #tpu.memory_space<hbm>>
    %dma_wait3A_124 = arith.constant 0 : i32
    %dma_wait3A_125 = tpu.memref_slice %arg4[%mul3A_116, %dma_wait3A_124] : memref<819200x128xf32, #tpu.memory_space<hbm>> -> memref<256x128xf32, #tpu.memory_space<hbm>>
    %dma_wait3A_126 = arith.constant 0 : i32
    %dma_wait3A_127 = arith.constant 0 : i32
    %dma_wait3A_128 = tpu.memref_slice %arg6[%dma_wait3A_117, %dma_wait3A_126, %dma_wait3A_127] : memref<3x256x128xf32, #tpu.memory_space<vmem>> -> memref<1x256x128xf32, #tpu.memory_space<vmem>>
    %dma_wait3A_129 = tpu.memref_squeeze %dma_wait3A_128 : memref<1x256x128xf32, #tpu.memory_space<vmem>> -> memref<256x128xf32, #tpu.memory_space<vmem>>
    tpu.wait_dma2 semaphore(%arg12 : memref<!tpu.dma_semaphore, #tpu.memory_space<semaphore_mem>>) src(%dma_wait3A_129 : memref<256x128xf32, #tpu.memory_space<vmem>>) dst(%dma_wait3A_125 : memref<256x128xf32, #tpu.memory_space<hbm>>)
    %add3A_130 = arith.constant 198 : i32
    %add3A_131 = arith.addi %mul3A_2, %add3A_130 : i32
    %mul3A_132 = arith.constant 128 : i32
    %mul3A_133 = arith.muli %add3A_131, %mul3A_132 : i32
    %dma_wait3A_134 = arith.constant 0 : i32
    %dma_wait3A_135 = arith.constant 0 : i32
    %dma_wait3A_136 = arith.constant 0 : i32
    %dma_wait3A_137 = tpu.memref_slice %arg6[%dma_wait3A_134, %dma_wait3A_135, %dma_wait3A_136] : memref<3x256x128xf32, #tpu.memory_space<vmem>> -> memref<1x256x128xf32, #tpu.memory_space<vmem>>
    %dma_wait3A_138 = tpu.memref_squeeze %dma_wait3A_137 : memref<1x256x128xf32, #tpu.memory_space<vmem>> -> memref<256x128xf32, #tpu.memory_space<vmem>>
    %dma_wait3A_139 = arith.constant 0 : i32
    %dma_wait3A_140 = tpu.memref_slice %arg4[%mul3A_133, %dma_wait3A_139] : memref<819200x128xf32, #tpu.memory_space<hbm>> -> memref<256x128xf32, #tpu.memory_space<hbm>>
    %dma_wait3A_141 = arith.constant 0 : i32
    %dma_wait3A_142 = tpu.memref_slice %arg4[%mul3A_133, %dma_wait3A_141] : memref<819200x128xf32, #tpu.memory_space<hbm>> -> memref<256x128xf32, #tpu.memory_space<hbm>>
    %dma_wait3A_143 = arith.constant 0 : i32
    %dma_wait3A_144 = arith.constant 0 : i32
    %dma_wait3A_145 = tpu.memref_slice %arg6[%dma_wait3A_134, %dma_wait3A_143, %dma_wait3A_144] : memref<3x256x128xf32, #tpu.memory_space<vmem>> -> memref<1x256x128xf32, #tpu.memory_space<vmem>>
    %dma_wait3A_146 = tpu.memref_squeeze %dma_wait3A_145 : memref<1x256x128xf32, #tpu.memory_space<vmem>> -> memref<256x128xf32, #tpu.memory_space<vmem>>
    tpu.wait_dma2 semaphore(%arg10 : memref<!tpu.dma_semaphore, #tpu.memory_space<semaphore_mem>>) src(%dma_wait3A_146 : memref<256x128xf32, #tpu.memory_space<vmem>>) dst(%dma_wait3A_142 : memref<256x128xf32, #tpu.memory_space<hbm>>)
    return
  }
}

module attributes {stable_mosaic.version = 14 : i64} {
  func.func @_merge_body(%arg0: i32, %arg1: memref<10000x128xf32, #tpu.memory_space<vmem>>, %arg2: memref<10000x64xbf16, #tpu.memory_space<vmem>>, %arg3: memref<128x64xbf16, #tpu.memory_space<vmem>>, %arg4: memref<10000x128xf32, #tpu.memory_space<vmem>>) attributes {dimension_semantics = [#tpu.dimension_semantics<arbitrary>], iteration_bounds = array<i64: 10>, scalar_prefetch = 0 : i64, scratch_operands = 0 : i64, tpu.core_type = #tpu.core_type<tc>, window_params = [{transform_indices = @transform_0, window_bounds = array<i64: 10000, 128>}, {transform_indices = @transform_1, window_bounds = array<i64: 10000, 64>}, {pipeline_mode = #tpu.pipeline_mode<synchronous>, transform_indices = @transform_2, window_bounds = array<i64: 128, 64>}, {transform_indices = @transform_3, window_bounds = array<i64: 10000, 128>}]} {
    %get3A = arith.constant 0 : index
    %get3A_0 = arith.constant 0 : index
    %get3A_1 = vector.load %arg2[%get3A, %get3A_0] : memref<10000x64xbf16, #tpu.memory_space<vmem>>, vector<10000x64xbf16>
    %get3A_2 = arith.constant 0 : index
    %get3A_3 = arith.constant 0 : index
    %get3A_4 = vector.load %arg3[%get3A_2, %get3A_3] : memref<128x64xbf16, #tpu.memory_space<vmem>>, vector<128x64xbf16>
    %dot_general3A = arith.constant dense<0.000000e+00> : vector<10000x128xf32>
    %dot_general3A_5 = tpu.matmul %get3A_1, %get3A_4, %dot_general3A {dimension_numbers = #tpu.dot_dimension_numbers<[1], [1], [0], [0], [0, 0, 1, 0], [], []>, transpose_lhs_hint = false} : vector<10000x64xbf16>, vector<128x64xbf16>, vector<10000x128xf32> -> vector<10000x128xf32>
    %get3A_6 = arith.constant 0 : index
    %get3A_7 = arith.constant 0 : index
    %get3A_8 = vector.load %arg1[%get3A_6, %get3A_7] : memref<10000x128xf32, #tpu.memory_space<vmem>>, vector<10000x128xf32>
    %mul3A = arith.constant 1.562500e-02 : f32
    %mul3A_9 = vector.broadcast %mul3A : f32 to vector<10000x128xf32>
    %mul3A_10 = arith.mulf %dot_general3A_5, %mul3A_9 : vector<10000x128xf32>
    %add3A = arith.addf %get3A_8, %mul3A_10 : vector<10000x128xf32>
    %swap3A = arith.constant 0 : index
    %swap3A_11 = arith.constant 0 : index
    %swap3A_12 = vector.load %arg4[%swap3A, %swap3A_11] : memref<10000x128xf32, #tpu.memory_space<vmem>>, vector<10000x128xf32>
    tpu.vector_store %arg4[%swap3A, %swap3A_11], %add3A {strides = array<i32>} : memref<10000x128xf32, #tpu.memory_space<vmem>>, vector<10000x128xf32>,
    return
  }
  func.func @transform_0(%arg0: i32) -> (i32, i32) {
    %c0_i32 = arith.constant 0 : i32
    %c0_i32_0 = arith.constant 0 : i32
    return %arg0, %c0_i32 : i32, i32
  }
  func.func @transform_1(%arg0: i32) -> (i32, i32) {
    %c0_i32 = arith.constant 0 : i32
    %c0_i32_0 = arith.constant 0 : i32
    return %arg0, %c0_i32 : i32, i32
  }
  func.func @transform_2(%arg0: i32) -> (i32, i32) {
    %c0_i32 = arith.constant 0 : i32
    %c0_i32_0 = arith.constant 0 : i32
    %c0_i32_1 = arith.constant 0 : i32
    return %c0_i32, %c0_i32_0 : i32, i32
  }
  func.func @transform_3(%arg0: i32) -> (i32, i32) {
    %c0_i32 = arith.constant 0 : i32
    %c0_i32_0 = arith.constant 0 : i32
    return %arg0, %c0_i32 : i32, i32
  }
}

</mosaic_0001>

<sc_bundles>
// kernel: kernel.4.cloned.1.call-start
scs
__scs_entry_jumppad:
0x0: {  	(pc) =	sbr.rel $0x88, $3  }
0x1: {  	(tag) =	ssettag $0x0;
	lr =	simm.s32 $0x1  }
0x2: {  	[smem:$0x3F9D] =	sst lr;
	_ =	strace $0xD0000000  }
0x3: {  	_ = 	snop  }
0x4: {  	_ = 	snop  }
0x5: {  	_ = 	snop  }
0x6: {  	_ = 	snop  }
0x7: {  	_ = 	snop  }
__scs_overlays_trampoline_lowered:
0x8: {  	[smem:$0x3FAC] =	sst s0  }
0x9: {  	[smem:$0x3FAD] =	sst s1  }
0xa: {  	[smem:$0x3FAE] =	sst s2  }
0xb: {  	[smem:$0x3FAF] =	sst s3  }
0xc: {  	[smem:$0x3FB0] =	sst s4  }
0xd: {  	[smem:$0x3FB1] =	sst s5  }
0xe: {  	[smem:$0x3FB2] =	sst s6  }
0xf: {  	[smem:$0x3FB3] =	sst s7  }
0x10: {  	[smem:$0x3FB4] =	sst s8  }
0x11: {  	[smem:$0x3FB5] =	sst s9;
	s0 =	simm.s32 @!p0 $0x0  }
0x12: {  	s1 =	sld [smem:$0x3F9B];
	s0 =	simm.s32 @p0 $0x1  }
0x13: {  	[smem:$0x3FB6] =	sst s0;
	s0 =	simm.s32 @!p1 $0x0  }
0x14: {  	s2 =	sld [smem:$0x3F9A];
	s0 =	simm.s32 @p1 $0x1  }
0x15: {  	[smem:$0x3FB7] =	sst s0;
	s0 =	simm.s32 @!p2 $0x0  }
0x16: {  	s3 =	sld [smem:$0x3FDB];
	s0 =	simm.s32 @p2 $0x1  }
0x17: {  	s4 =	simm.s32 $0x1BF5;
	[smem:$0x3FB9] =	sst s0  }
0x18: {  	s0 =	sld [smem:$0x3F9C];
	_ =	swait.ge [sflag:s4], $0x0  }
0x19: {  	s7 =	sld [smem:$0x3F9D]  }
0x1a: {  	s8 =	sadd.s32 $0xFFFFE003, lr  }
0x1b: {  	s9 =	sadd.s32 $0xFFFFFEF7, lr;
	s5 =	simm.s32 $0xFFFFFFFF;
	p2 =	slt.u32 s8, $0xFFFFF086  }
0x1c: {  	p1 =	slt.u32 s9, $0xF7A;
	s5 =	simm.s32 @!p2 $0x0  }
0x1d: {  	s5 =	simm.s32 @p1 $0x1;
	p0 =	seq.s32 s7, s2  }
0x1e: {  	s7 =	smul.u32 @!p0 $0xF7A, s2;
	p2 =	seq.s32 @!p0 s5, $0x0  }
0x1f: {  	s9 =	smul.u32 $0xF7A, s1;
	s8 =	simm.s32 @!p0 $0x1BF5;
	p2 =	por !p2, p0  }
0x20: {  	[sflag:s8] =	ssyncset.s32 @!p0 $0xFFFFF086;
	s6 =	sadd.s32 @!p0 s3, s7;
	s7 =	simm.s32 @!p0 $0x108  }
0x21: {  	s3 =	sadd.s32 s3, s9;
	s6 =	sadd.s32 @!p0 $0x88, s6;
	s7 =	simm.s32 @p2 $0x1082  }
0x22: {  	[simem:s7], [sflag:s8] =	dma.local @!p0 [hbm:s6], $0xF7A  }
0x23: {  	s9 =	sor.u32 $0xD0000000, s2;
	s6 =	simm.s32 $0x108;
	_ =	swait.ge @!p0 [sflag:s8], $0x0  }
0x24: {  	s3 =	sadd.s32 $0x88, s3;
	s6 =	simm.s32 @!p1 $0x1082;
	[sflag:s4] =	ssyncset.s32 $0xFFFFF086  }
0x25: {  	[simem:s6], [sflag:s4] =	dma.local [hbm:s3], $0xF7A  }
0x26: {  	[smem:$0x3F9D] =	sst s1;
	(tag) =	ssettag s2;
	_ =	strace s9  }
0x27: {  	s1 =	sld [smem:$0x3FAD]  }
0x28: {  	s2 =	sld [smem:$0x3FAE]  }
0x29: {  	s4 =	sld [smem:$0x3FB0]  }
0x2a: {  	p0 =	seq.s32 s5, $0x0;
	s5 =	sld [smem:$0x3FB1]  }
0x2b: {  	s6 =	sld [smem:$0x3FB2]  }
0x2c: {  	s7 =	sld [smem:$0x3FB3]  }
0x2d: {  	s3 =	simm.s32 $0x108;
	s8 =	sld [smem:$0x3FB4]  }
0x2e: {  	s3 =	simm.s32 @!p0 $0x1082;
	s9 =	sld [smem:$0x3FB5]  }
0x2f: {  	lr =	sadd.s32 s0, s3;
	s0 =	sld [smem:$0x3FAC]  }
0x30: {  	s3 =	sld [smem:$0x3FAF]  }
0x31: {  	[smem:$0x3FB8] =	sst s10  }
0x32: {  	s10 =	sld [smem:$0x3FB6];
	_ =	sdelay $0x3  }
0x33: {  	p0 =	seq.s32 s10, $0x1;
	s10 =	sld [smem:$0x3FB8];
	_ =	sdelay $0x3  }
0x34: {  	[smem:$0x3FB8] =	sst s10  }
0x35: {  	s10 =	sld [smem:$0x3FB7];
	_ =	sdelay $0x3  }
0x36: {  	p1 =	seq.s32 s10, $0x1;
	s10 =	sld [smem:$0x3FB8];
	_ =	sdelay $0x3  }
0x37: {  	[smem:$0x3FB8] =	sst s10  }
0x38: {  	s10 =	sld [smem:$0x3FB9]  }
0x39: {  	_ = 	snop;
	(pc) =	sbr.ind lr, $3  }
0x3a: {  	_ = 	snop  }
0x3b: {  	_ = 	snop  }
0x3c: {  	p2 =	seq.s32 s10, $0x1;
	s10 =	sld [smem:$0x3FB8]  }
0x3d: {  	_ =	shalt  }
0x3e: {  	_ =	shalt  }
0x3f: {  	_ =	shalt  }
0x40: {  	_ =	shalt  }
0x41: {  	_ =	shalt  }
0x42: {  	_ =	shalt  }
0x43: {  	_ =	shalt  }
0x44: {  	_ =	shalt  }
0x45: {  	_ =	shalt  }
0x46: {  	_ =	shalt  }
0x47: {  	_ =	shalt  }
0x48: {  	_ =	shalt  }
0x49: {  	_ =	shalt  }
0x4a: {  	_ =	shalt  }
0x4b: {  	_ =	shalt  }
0x4c: {  	_ =	shalt  }
0x4d: {  	_ =	shalt  }
0x4e: {  	_ =	shalt  }
0x4f: {  	_ =	shalt  }
0x50: {  	_ =	shalt  }
0x51: {  	_ =	shalt  }
0x52: {  	_ =	shalt  }
0x53: {  	_ =	shalt  }
0x54: {  	_ =	shalt  }
0x55: {  	_ =	shalt  }
0x56: {  	_ =	shalt  }
0x57: {  	_ =	shalt  }
0x58: {  	_ =	shalt  }
0x59: {  	_ =	shalt  }
0x5a: {  	_ =	shalt  }
0x5b: {  	_ =	shalt  }
0x5c: {  	_ =	shalt  }
0x5d: {  	_ =	shalt  }
0x5e: {  	_ =	shalt  }
0x5f: {  	_ =	shalt  }
0x60: {  	_ =	shalt  }
0x61: {  	_ =	shalt  }
0x62: {  	_ =	shalt  }
0x63: {  	_ =	shalt  }
0x64: {  	_ =	shalt  }
0x65: {  	_ =	shalt  }
0x66: {  	_ =	shalt  }
0x67: {  	_ =	shalt  }
0x68: {  	_ =	shalt  }
0x69: {  	_ =	shalt  }
0x6a: {  	_ =	shalt  }
0x6b: {  	_ =	shalt  }
0x6c: {  	_ =	shalt  }
0x6d: {  	_ =	shalt  }
0x6e: {  	_ =	shalt  }
0x6f: {  	_ =	shalt  }
0x70: {  	_ =	shalt  }
0x71: {  	_ =	shalt  }
0x72: {  	_ =	shalt  }
0x73: {  	_ =	shalt  }
0x74: {  	_ =	shalt  }
0x75: {  	_ =	shalt  }
0x76: {  	_ =	shalt  }
0x77: {  	_ =	shalt  }
0x78: {  	_ =	shalt  }
0x79: {  	_ =	shalt  }
0x7a: {  	_ =	shalt  }
0x7b: {  	_ =	shalt  }
0x7c: {  	_ =	shalt  }
0x7d: {  	_ =	shalt  }
0x7e: {  	_ =	shalt  }
0x7f: {  	_ =	shalt  }
0x80: {  	_ =	shalt  }
0x81: {  	_ =	shalt  }
0x82: {  	_ =	shalt  }
0x83: {  	_ =	shalt  }
0x84: {  	_ =	shalt  }
0x85: {  	_ =	shalt  }
0x86: {  	_ =	shalt  }
0x87: {  	_ =	shalt  }
.Lfunc_end0:
.L_simem_size_0:
called_computation_lowered:
.L_overlay_start_0:
0x88: {  	s2 =	sld [smem:$0x3FD9]  }
0x89: {  	s3 =	sld [smem:$0x3FFE];
	_ =	sdelay $0x1  }
0x8a: {  	s1 =	srdreg.scid  }
0x8b: {  	s0 =	sand.u32 $0x1, s1  }
0x8c: {  	s17 =	sshll.u32 s0, $0xA;
	s2 =	sadd.s32 s3, s2  }
0x8d: {  	s2 =	sadd.s32 s2, s17  }
0x8e: {  	[smem:$0x3FC4] =	sst s2  }
0x8f: {  	_ = 	snop  }
0x90: {  	s2 =	sld [smem:$0x3FD0];
	(tm) =	ssettm $0x1  }
0x91: {  	s18 =	sld [smem:$0x3FFB];
	_ =	sdelay $0x3  }
0x92: {  	_ =	strace s18  }
0x93: {  	s3 =	sld [smem:$0x3FFC];
	_ =	sdelay $0x3  }
0x94: {  	_ =	strace s3  }
0x95: {  	s3 =	sld [smem:$0x3FFD];
	_ =	sdelay $0x3  }
0x96: {  	_ =	strace s3  }
0x97: {  	_ =	strace $0x8FFFFFFF  }
0x98: {  	s19 =	sld [smem:$0x3FDB];
	_ =	sdelay $0x1  }
0x99: {  	s4 =	simm.s32 $_scs_section_size  }
0x9a: {  	s5 =	simm.s32 $_size__tile_overlayer_lowered;
	s6 =	simm.s32 $_tile_overlayer_lowered  }
0x9b: {  	s22 =	simm.s32 $0x1BFF;
	s21 =	sshll.u32 s6, $0x1;
	s3 =	sadd.s32 s4, s19  }
0x9c: {  	s7 =	simm.s32 $0x0;
	s20 =	sshll.u32 s5, $0x1;
	s5 =	sadd.s32 s21, s3  }
0x9d: {  	[timem:s7], [sflag:s22] =	dma.local [hbm:s5], s20  }
0x9e: {  	_ =	swait.ge [sflag:s22], s20  }
0x9f: {  	s4 =	ssub.s32 $0x0, s20;
	[sflag:s22] =	ssyncset.done $0x0  }
0xa0: {  	[sflag:s22] =	ssyncadd.s32 s4;
	_ =	sdelay $0x1  }
0xa1: {  	s23 =	simm.s32 $0x1B8B  }
0xa2: {  	_ =	swait.ge [sflag:s23], $0x1  }
0xa3: {  	[sflag:s23] =	ssyncset.done $0x0  }
0xa4: {  	s25 =	simm.s32 $0x1B8E;
	s24 =	sld [smem:$0x3FFE];
	[sflag:s23] =	ssyncadd.s32 $0xFFFFFFFF  }
0xa5: {  	s26 =	simm.s32 $execute0_lowered;
	[smem:$0x3FD2] =	sst s25  }
0xa6: {  	s5 =	sshll.u32 s26, $0x1;
	_ =	strace $0x80000046;
	[dreg:$0x1] =	wrdreg $0xFFFFFFFF  }
0xa7: {  	s28 =	simm.s32 $_size_execute0_lowered;
	s3 =	sadd.s32 s3, s5;
	[dreg:$0x0] =	wrdreg $0x0  }
0xa8: {  	s5 =	sshll.u32 s28, $0x1;
	[dreg:$0x2] =	wrdreg s3  }
0xa9: {  	[dreg:$0x3] =	wrdreg s5  }
0xaa: {  	[dreg:$0x4] =	wrdreg $0xC0  }
0xab: {  	_ =	task [dreg:s7], $0x5FFFF  }
0xac: {  	[dreg:$0x1] =	wrdreg $0xFFFFFFFF  }
0xad: {  	[dreg:$0x0] =	wrdreg $0x60  }
0xae: {  	[dreg:$0x2] =	wrdreg s24  }
0xaf: {  	[dreg:$0x3] =	wrdreg s2  }
0xb0: {  	[dreg:$0x4] =	wrdreg $0x9  }
0xb1: {  	_ =	task.clear_ibuf [dreg:s7], $0x5FFFF;
	_ =	strace $0x90000046  }
0xb2: {  	s29 =	simm.s32 $0x9;
	_ =	strace $0x80000048  }
0xb3: {  	_ =	swait.ge [sflag:s29], $0x1  }
0xb4: {  	[sflag:s29] =	ssyncadd.s32 $0xFFFFFFFF  }
0xb5: {  	_ =	strace $0x90000048  }
0xb6: {  	_ =	sfence  }
0xb7: {  	s30 =	sld [smem:$0x0];
	_ =	sdelay $0x2  }
0xb8: {  	s31 =	sshll.u32 s1, $0xD;
	s1 =	sshrl.u32 s1, $0x2  }
0xb9: {  	s3 =	sand.u32 $0x4000, s31;
	s1 =	sadd.s32 s1, s30  }
0xba: {  	s0 =	sor.u32 s3, s0;
	s1 =	sshll.u32 s1, $0x11  }
0xbb: {  	s0 =	sor.u32 s1, s0  }
0xbc: {  	s0 =	sadd.s32 $0x8F2B, s0  }
0xbd: {  	[sflag:s0] =	ssyncadd.remote.s32 $0x1  }
0xbe: {  	_ =	sfence.sel $0xFFFF  }
0xbf: {  	[dreg:$0x0] =	wrdreg $0xFFFFFFFF;
	(pc) =	sbr.abs _section_cstart, $3  }
0xc0: {  	[dreg:$0x1] =	wrdreg $0xFFFFFFFF  }
0xc1: {  	_ =	task.clear_ibuf [dreg:s7], $0x2FFFF;
	_ =	strace $0x9FFFFFFF  }
0xc2: {  	(tm) =	ssettm $0x7FFFFFFF  }
0xc3: {  	_ =	shalt  }
tec
execute0_lowered:
.L_overlay_start_1:
0x0: {  	(tag) =	ssettag $0x1  }
0x1: {  	s0 =	rddreg [dreg:$0x0];
	s1 =	srdreg.scid  }
0x2: {  	s14 =	stileid.u32;
	s10 =	rddreg [dreg:$0x1]  }
0x3: {  	s2 =	simm.s32 $0x0;
	s15 =	simm.s32 $0x6400;
	s12 =	smul.u32 $0x640000, s14  }
0x4: {  	s16 =	simm.s32 $0xA400;
	s1 =	sand.u32 $0x1, s1;
	s22 =	smul.u32 $0xC8000, s14  }
0x5: {  	s28 =	simm.s32 $0x4;
	s3 =	sshll.u32 s14, $0x1;
	s13 =	smul.u32 $0x320000, s1  }
0x6: {  	s5 =	sor.u32 s1, s3;
	s4 =	ssub.s32 $0x2, s1;
	s1 =	smul.u32 $0x64000, s1  }
0x7: {  	s31 =	simm.s32 $0x3;
	[smem:$0x7FF] =	sst s2;
	s3 =	smul.u32 $0xC80, s5  }
0x8: {  	s14 =	simm.s32 $0x80;
	_ =	strace $0x80000047;
	s6 =	smul.u32 $0x320000, s5  }
0x9: {  	s18 =	sshrl.u32 s4, $0x1;
	s9 =	smul.u32 $0x64000, s5;
	s24 =	sadd.s32 s13, s12  }
0xa: {  	s13 =	simm.s32 $0x7;
	s7 =	sadd.s32 s3, s0;
	s3 =	sadd.s32 $0x19400, s0  }
0xb: {  	s0 =	ssub.s32 s4, s18;
	s20 =	sshrl.u32 s6, $0x3;
	s8 =	sor.u32 $0x8000, s6  }
0xc: {  	s11 =	sor.u32 $0x10000, s6;
	s12 =	sadd.s32 $0x28000, s24;
	s18 =	simm.s32 $0xE400  }
0xd: {  	s19 =	sadd.s32 $0x400, s7;
	s7 =	sadd.s32 s10, s20;
	s6 =	smax.u32 s0, $0x1  }
0xe: {  	s21 =	sshrl.u32 s8, $0x3;
	s23 =	sshrl.u32 s11, $0x3;
	s0 =	sadd.s32 s22, s10  }
0xf: {  	s25 =	sshrl.u32 s12, $0x3;
	s11 =	sadd.s32 $0x20000, s24;
	s20 =	simm.s32 $0x12400  }
0x10: {  	s22 =	simm.s32 $0x0;
	[dreg:$0x3] =	wrdreg s19;
	s5 =	sadd.s32 $0x63000, s7  }
.Ltmp0:
0x11: {  	s7 =	sadd.s32 s10, s9;
	s8 =	sadd.s32 s10, s21;
	(pc) =	sbr.rel .LBB2_1-.Ltmp0, $4  }
0x12: {  	s9 =	sadd.s32 s10, s23;
	s0 =	sadd.s32 s1, s0;
	s29 =	sadd.s32 s25, s10  }
0x13: {  	s26 =	sshrl.u32 s11, $0x3;
	s21 =	simm.s32 $0x1;
	s23 =	simm.s32 $0x16400  }
0x14: {  	s25 =	simm.s32 $0x1A400;
	s1 =	simm.s32 $0x5;
	s19 =	simm.s32 $0x6  }
0x15: {  	s30 =	sadd.s32 $0x3000, s0;
	s24 =	sadd.s32 s26, s10;
	s26 =	simm.s32 $0x2  }
.LBB2_4:
0x16: {  	_ =	swait.ge [sflag:s21], $0x4000  }
0x17: {  	[sflag:s21] =	ssyncset.done $0x0  }
0x18: {  	[sflag:s21] =	ssyncadd.s32 $0xFFFFC000  }
0x19: {  	_ =	swait.ge [sflag:s21], $0x4000  }
0x1a: {  	[sflag:s21] =	ssyncset.done $0x0  }
0x1b: {  	s22 =	sadd.s32 $0x1, s22;
	[sflag:s21] =	ssyncadd.s32 $0xFFFFC000  }
0x1c: {  	[hbm4b:s5+s2] =	stream.linear.scatter [tilespmem:s15], [sflag:$0x4], $0x8000, $0x38;
	[tilespmem:$0x1E400] =	vst v63  }
0x1d: {  	p0 =	sne.s32 s22, s6;
	_ =	swait.ge [sflag:s19], $0x8000  }
.Ltmp1:
0x1e: {  	[sflag:s19] =	ssyncset.done $0x0;
	(pc) =	sbr.rel @!p0 .LBB2_5-.Ltmp1, $4  }
0x1f: {  	[sflag:s19] =	ssyncadd.s32 $0xFFFF8000  }
0x20: {  	_ =	swait.ge [sflag:s28], $0x8000  }
0x21: {  	[sflag:s28] =	ssyncset.done $0x0  }
0x22: {  	[sflag:s28] =	ssyncadd.s32 $0xFFFF8000  }
.LBB2_1:
0x23: {  	s0 =	rddreg [dreg:$0x3]  }
0x24: {  	[tilespmem:s2], [sflag:$0x7] =	stream.linear.gather [hbm4b:s0+s2], $0x6400, $0x38;
	[tilespmem:$0x1E400] =	vst v63  }
0x25: {  	_ =	swait.ge [sflag:s13], $0x6400  }
0x26: {  	[sflag:s13] =	ssyncset.done $0x0  }
0x27: {  	[sflag:s13] =	ssyncadd.s32 $0xFFFF9C00  }
0x28: {  	[tilespmem:s15], [sflag:$0x1] =	stream.indirect.gather [hbm4b:s3+s14], $0x80, s2, s14, $0xb8;
	[tilespmem:$0x1E400] =	vst v63  }
0x29: {  	_ = 	snop  }
0x2a: {  	[tilespmem:s16], [sflag:$0x1] =	stream.indirect.gather [hbm4b:s3+s14], $0x80, s14, s14, $0xb8;
	[tilespmem:$0x1E400] =	vst v63  }
0x2b: {  	s11 =	simm.s32 $0x100  }
0x2c: {  	[tilespmem:s18], [sflag:$0x2] =	stream.indirect.gather [hbm4b:s3+s14], $0x80, s11, s14, $0xb8;
	[tilespmem:$0x1E400] =	vst v63  }
0x2d: {  	s12 =	simm.s32 $0x180  }
0x2e: {  	[tilespmem:s20], [sflag:$0x2] =	stream.indirect.gather [hbm4b:s3+s14], $0x80, s12, s14, $0xb8;
	[tilespmem:$0x1E400] =	vst v63  }
0x2f: {  	_ =	swait.ge [sflag:s21], $0x4000  }
0x30: {  	[sflag:s21] =	ssyncset.done $0x0  }
0x31: {  	[sflag:s21] =	ssyncadd.s32 $0xFFFFC000  }
0x32: {  	_ =	swait.ge [sflag:s21], $0x4000  }
0x33: {  	[sflag:s21] =	ssyncset.done $0x0  }
0x34: {  	[sflag:s21] =	ssyncadd.s32 $0xFFFFC000  }
0x35: {  	[hbm4b:s7+s2] =	stream.linear.scatter [tilespmem:s15], [sflag:$0x4], $0x8000, $0x38;
	[tilespmem:$0x1E400] =	vst v63  }
0x36: {  	s17 =	simm.s32 $0x200  }
0x37: {  	[tilespmem:s23], [sflag:$0x3] =	stream.indirect.gather [hbm4b:s3+s14], $0x80, s17, s14, $0xb8;
	[tilespmem:$0x1E400] =	vst v63  }
0x38: {  	s4 =	simm.s32 $0x280  }
0x39: {  	[tilespmem:s25], [sflag:$0x3] =	stream.indirect.gather [hbm4b:s3+s14], $0x80, s4, s14, $0xb8;
	[tilespmem:$0x1E400] =	vst v63  }
0x3a: {  	_ =	swait.ge [sflag:s26], $0x4000  }
0x3b: {  	[sflag:s26] =	ssyncset.done $0x0  }
0x3c: {  	[sflag:s26] =	ssyncadd.s32 $0xFFFFC000  }
0x3d: {  	_ =	swait.ge [sflag:s26], $0x4000  }
0x3e: {  	[sflag:s26] =	ssyncset.done $0x0  }
0x3f: {  	[sflag:s26] =	ssyncadd.s32 $0xFFFFC000  }
0x40: {  	[hbm4b:s8+s2] =	stream.linear.scatter [tilespmem:s18], [sflag:$0x5], $0x8000, $0x38;
	[tilespmem:$0x1E400] =	vst v63  }
0x41: {  	_ =	swait.ge [sflag:s28], $0x8000  }
0x42: {  	[sflag:s28] =	ssyncset.done $0x0  }
0x43: {  	s10 =	simm.s32 $0x300;
	[sflag:s28] =	ssyncadd.s32 $0xFFFF8000  }
0x44: {  	[tilespmem:s15], [sflag:$0x1] =	stream.indirect.gather [hbm4b:s3+s14], $0x80, s10, s14, $0xb8;
	[tilespmem:$0x1E400] =	vst v63  }
0x45: {  	s11 =	simm.s32 $0x380  }
0x46: {  	[tilespmem:s16], [sflag:$0x1] =	stream.indirect.gather [hbm4b:s3+s14], $0x80, s11, s14, $0xb8;
	[tilespmem:$0x1E400] =	vst v63  }
0x47: {  	_ =	swait.ge [sflag:s31], $0x4000  }
0x48: {  	[sflag:s31] =	ssyncset.done $0x0  }
0x49: {  	[sflag:s31] =	ssyncadd.s32 $0xFFFFC000  }
0x4a: {  	_ =	swait.ge [sflag:s31], $0x4000  }
0x4b: {  	[sflag:s31] =	ssyncset.done $0x0  }
0x4c: {  	[sflag:s31] =	ssyncadd.s32 $0xFFFFC000  }
0x4d: {  	[hbm4b:s9+s2] =	stream.linear.scatter [tilespmem:s23], [sflag:$0x6], $0x8000, $0x38;
	[tilespmem:$0x1E400] =	vst v63  }
0x4e: {  	_ =	swait.ge [sflag:s1], $0x8000  }
0x4f: {  	s0 =	simm.s32 $0x0;
	[sflag:s1] =	ssyncset.done $0x0  }
0x50: {  	s12 =	simm.s32 $0x400;
	s17 =	simm.s32 $0x480;
	[sflag:s1] =	ssyncadd.s32 $0xFFFF8000  }
0x51: {  	[tilespmem:s18], [sflag:$0x2] =	stream.indirect.gather [hbm4b:s3+s14], $0x80, s12, s14, $0xb8;
	[tilespmem:$0x1E400] =	vst v63  }
0x52: {  	s10 =	smov.u32 s30;
	s11 =	smov.u32 s29;
	s12 =	smov.u32 s24  }
0x53: {  	[tilespmem:s20], [sflag:$0x2] =	stream.indirect.gather [hbm4b:s3+s14], $0x80, s17, s14, $0xb8;
	[tilespmem:$0x1E400] =	vst v63  }
.LBB2_2:
0x54: {  	_ =	swait.ge [sflag:s21], $0x4000  }
0x55: {  	[sflag:s21] =	ssyncset.done $0x0  }
0x56: {  	[sflag:s21] =	ssyncadd.s32 $0xFFFFC000  }
0x57: {  	_ =	swait.ge [sflag:s21], $0x4000  }
0x58: {  	[sflag:s21] =	ssyncset.done $0x0  }
0x59: {  	[sflag:s21] =	ssyncadd.s32 $0xFFFFC000  }
0x5a: {  	[hbm4b:s10+s2] =	stream.linear.scatter [tilespmem:s15], [sflag:$0x4], $0x8000, $0x38;
	[tilespmem:$0x1E400] =	vst v63  }
0x5b: {  	_ =	swait.ge [sflag:s19], $0x8000  }
0x5c: {  	s17 =	sshra.s32 s0, $0x2;
	[sflag:s19] =	ssyncset.done $0x0  }
0x5d: {  	s4 =	sadd.s32 $0x500, s17;
	[sflag:s19] =	ssyncadd.s32 $0xFFFF8000  }
0x5e: {  	[tilespmem:s23], [sflag:$0x3] =	stream.indirect.gather [hbm4b:s3+s14], $0x80, s4, s14, $0xb8;
	[tilespmem:$0x1E400] =	vst v63  }
0x5f: {  	s4 =	sadd.s32 $0x580, s17  }
0x60: {  	[tilespmem:s25], [sflag:$0x3] =	stream.indirect.gather [hbm4b:s3+s14], $0x80, s4, s14, $0xb8;
	[tilespmem:$0x1E400] =	vst v63  }
0x61: {  	_ =	swait.ge [sflag:s26], $0x4000  }
0x62: {  	[sflag:s26] =	ssyncset.done $0x0  }
0x63: {  	[sflag:s26] =	ssyncadd.s32 $0xFFFFC000  }
0x64: {  	_ =	swait.ge [sflag:s26], $0x4000  }
0x65: {  	[sflag:s26] =	ssyncset.done $0x0  }
0x66: {  	[sflag:s26] =	ssyncadd.s32 $0xFFFFC000  }
0x67: {  	[hbm4b:s12+s2] =	stream.linear.scatter [tilespmem:s18], [sflag:$0x5], $0x8000, $0x38;
	[tilespmem:$0x1E400] =	vst v63  }
0x68: {  	_ =	swait.ge [sflag:s28], $0x8000  }
0x69: {  	[sflag:s28] =	ssyncset.done $0x0  }
0x6a: {  	s4 =	sadd.s32 $0x600, s17;
	[sflag:s28] =	ssyncadd.s32 $0xFFFF8000  }
0x6b: {  	[tilespmem:s15], [sflag:$0x1] =	stream.indirect.gather [hbm4b:s3+s14], $0x80, s4, s14, $0xb8;
	[tilespmem:$0x1E400] =	vst v63  }
0x6c: {  	s4 =	sadd.s32 $0x680, s17  }
0x6d: {  	[tilespmem:s16], [sflag:$0x1] =	stream.indirect.gather [hbm4b:s3+s14], $0x80, s4, s14, $0xb8;
	[tilespmem:$0x1E400] =	vst v63  }
0x6e: {  	_ =	swait.ge [sflag:s31], $0x4000  }
0x6f: {  	[sflag:s31] =	ssyncset.done $0x0  }
0x70: {  	[sflag:s31] =	ssyncadd.s32 $0xFFFFC000  }
0x71: {  	_ =	swait.ge [sflag:s31], $0x4000  }
0x72: {  	p0 =	seq.s32 s0, $0x17400;
	[sflag:s31] =	ssyncset.done $0x0  }
.Ltmp2:
0x73: {  	[sflag:s31] =	ssyncadd.s32 $0xFFFFC000;
	(pc) =	sbr.rel @p0 .LBB2_4-.Ltmp2, $4  }
0x74: {  	[hbm4b:s11+s2] =	stream.linear.scatter [tilespmem:s23], [sflag:$0x6], $0x8000, $0x38;
	[tilespmem:$0x1E400] =	vst v63  }
0x75: {  	_ =	swait.ge [sflag:s1], $0x8000  }
0x76: {  	[sflag:s1] =	ssyncset.done $0x0  }
0x77: {  	[sflag:s1] =	ssyncadd.s32 $0xFFFF8000  }
.Ltmp3:
0x78: {  	(pc) =	sbr.rel .LBB2_2-.Ltmp3, $4  }
0x79: {  	s4 =	sadd.s32 $0x700, s17;
	s17 =	sadd.s32 $0x780, s17;
	s0 =	sadd.s32 $0xC00, s0  }
0x7a: {  	[tilespmem:s18], [sflag:$0x2] =	stream.indirect.gather [hbm4b:s3+s14], $0x80, s4, s14, $0xb8;
	[tilespmem:$0x1E400] =	vst v63  }
0x7b: {  	s10 =	sadd.s32 $0x3000, s10;
	s11 =	sadd.s32 $0x3000, s11;
	s12 =	sadd.s32 $0x3000, s12  }
0x7c: {  	[tilespmem:s20], [sflag:$0x2] =	stream.indirect.gather [hbm4b:s3+s14], $0x80, s17, s14, $0xb8;
	[tilespmem:$0x1E400] =	vst v63  }
.LBB2_5:
0x7d: {  	_ =	sfence.sel $0x180000  }
0x7e: {  	[bflag:$0x0] =	sbarrier.arrive $0xFFFF  }
0x7f: {  	_ =	strace $0x90000047  }
0x80: {  	s0 =	stileid.u32;
	[bflag:$0x2] =	sbarrier.arrive $0xFFFF  }
0x81: {  	p0 =	sne.s32 s0, $0x0;
	s0 =	rddreg [dreg:$0x2]  }
0x82: {  	s0 =	sadd.s32 @!p0 $0x100000, s0  }
0x83: {  	[sflag:s0] =	ssyncadd.tile.s32 @!p0 $0x1;
	_ =	shalt  }
.Lfunc_end2:
_tile_overlayer_lowered:
.L_overlay_start_2:
0x84: {  	(tag) =	ssettag $0x2  }
0x85: {  	s0 =	rddreg [dreg:$0x0];
	s2 =	stileid.u32  }
0x86: {  	s1 =	rddreg [dreg:$0x1];
	p0 =	sne.s32 s2, $0x0  }
0x87: {  	s3 =	rddreg [dreg:$0x2];
	[bflag:$0x3] =	sbarrier.arrive $0xFFFF;
	s2 =	simm.s32 @!p0 $0x1C07  }
0x88: {  	[timem:s3], [sflag:s2] =	dma.local @!p0 [hbm:s0], s1  }
0x89: {  	s0 =	simm.s32 @!p0 $0x7  }
0x8a: {  	_ =	swait.ge @!p0 [sflag:s0], s1  }
0x8b: {  	s1 =	ssub.s32 @!p0 $0x0, s1;
	[sflag:s0] =	ssyncset.done @!p0 $0x0  }
0x8c: {  	[sflag:s0] =	ssyncadd.s32 @!p0 s1  }
0x8d: {  	[bflag:$0x3] =	sbarrier.arrive $0xFFFF  }
0x8e: {  	_ =	shalt  }

</sc_bundles>
